<compile_context>
chip_gen: v7x
topology: tpu7x:2x2x1
jax: 0.10.2.dev20260603
libtpu: 0.0.44.dev20260713+nightly
codegen_flags: <defaults>
</compile_context>

<pallas_src>
import functools

import jax
import jax.numpy as jnp
from jax import lax
from jax.experimental import pallas as pl
from jax.experimental.pallas import tpu as pltpu
from jax.experimental.pallas import tpu_sc as plsc

B, H, W = 64, 80, 80
P = B * H * W
M = 4
CH = 20
NW = 32
HROWS = 16
SLAB = HROWS * W
NSLAB = (P // NW) // SLAB
SGROUPS = SLAB // 16

LN2 = 0.6931471805599453
LOG2PI = 1.8378770664093453

_LOGC = (-0.4842381066803376, 0.2456068793580864, -0.0683422317501495)


def _flog(y):
    yi = lax.bitcast_convert_type(y, jnp.int32)
    e = lax.shift_right_arithmetic(yi, 23) - 127
    mi = jnp.bitwise_or(jnp.bitwise_and(yi, 0x007FFFFF), 0x3F800000)
    f = lax.bitcast_convert_type(mi, jnp.float32) - 1.0
    p = jnp.float32(_LOGC[2])
    p = p * f + _LOGC[1]
    p = p * f + _LOGC[0]
    return e.astype(jnp.float32) * LN2 + (p * (f * f) + f)


def _softplus(x):
    t = jnp.exp(-jnp.abs(x))
    p = jnp.float32(_LOGC[2])
    p = p * t + _LOGC[1]
    p = p * t + _LOGC[0]
    return jnp.maximum(x, 0.0) + (p * (t * t) + t)


def _body(x_hbm, tl_hbm, ns_hbm, out_hbm, x_v, tl_v, ns_v, out_v,
          xsem, tsem, nsem):
    cid = lax.axis_index("c")
    sid = lax.axis_index("s")
    wid = sid * 2 + cid

    def _addr(j):
        b = 2 * wid + j // 5
        h0 = (j % 5) * HROWS
        return b, h0

    def _issue(j, p):
        b, h0 = _addr(j)
        pltpu.async_copy(x_hbm.at[b, :, pl.ds(h0, HROWS), :], x_v.at[p], xsem)
        pltpu.async_copy(tl_hbm.at[b, pl.ds(h0, HROWS)], tl_v.at[p], tsem)
        pltpu.async_copy(ns_hbm.at[b, pl.ds(h0, HROWS)], ns_v.at[p], nsem)

    _issue(0, 0)

    def slab_body(j, _):
        p = j % 2
        b, h0 = _addr(j)
        pltpu.make_async_copy(
            x_hbm.at[b, :, pl.ds(h0, HROWS), :], x_v.at[p], xsem).wait()
        pltpu.make_async_copy(
            tl_hbm.at[b, pl.ds(h0, HROWS)], tl_v.at[p], tsem).wait()
        pltpu.make_async_copy(
            ns_hbm.at[b, pl.ds(h0, HROWS)], ns_v.at[p], nsem).wait()

        @pl.when(j < NSLAB - 1)
        def _prefetch():
            _issue(j + 1, 1 - p)

        def px_group(i, _):
            r = i // 5
            c0 = (i % 5) * 16
            s = pl.ds(c0, 16)
            n = ns_v[p, r, s]
            on_b = n > 0
            valid = [t < n for t in range(M)]

            tx = [tl_v[p, r, 2 * t, s] for t in range(M)]
            ty = [tl_v[p, r, 2 * t + 1, s] for t in range(M)]

            s_spl = jnp.zeros((16,), jnp.float32)
            s_l = jnp.zeros((16,), jnp.float32)
            s_nll = jnp.zeros((16,), jnp.float32)
            for k in range(M):
                l = x_v[p, 5 * k, r, s]
                mux = x_v[p, 5 * k + 1, r, s]
                muy = x_v[p, 5 * k + 2, r, s]
                sdxr = x_v[p, 5 * k + 3, r, s]
                sdyr = x_v[p, 5 * k + 4, r, s]

                ex = 1.0 / (1.0 + jnp.exp(-mux))
                ey = 1.0 / (1.0 + jnp.exp(-muy))
                sdx = _softplus(sdxr) + 1e-4
                sdy = _softplus(sdyr) + 1e-4

                dx = ex - tx[0]
                dy = ey - ty[0]
                best = jnp.where(valid[0], dx * dx + dy * dy, 1e9)
                bx = tx[0]
                by = ty[0]
                for t in range(1, M):
                    dx = ex - tx[t]
                    dy = ey - ty[t]
                    d2 = jnp.where(valid[t], dx * dx + dy * dy, 1e9)
                    mlt = d2 < best
                    best = jnp.where(mlt, d2, best)
                    bx = jnp.where(mlt, tx[t], bx)
                    by = jnp.where(mlt, ty[t], by)

                zx = (bx - ex) / sdx
                zy = (by - ey) / sdy
                s_spl = s_spl + _softplus(l)
                s_l = s_l + l
                s_nll = s_nll + (0.5 * (zx * zx + zy * zy)
                                 + _flog(sdx * sdy) + LOG2PI)

            out_v[r, s] = jnp.where(on_b, s_spl - s_l + s_nll, 0.1 * s_spl)
            return 0

        lax.fori_loop(0, SGROUPS, px_group, 0, unroll=False)
        pltpu.sync_copy(out_v, out_hbm.at[b, pl.ds(h0, HROWS)])
        return 0

    lax.fori_loop(0, NSLAB, slab_body, 0, unroll=False)


@jax.jit
def _sc_nll(x2d, tl2d, ns3d):
    mesh = plsc.VectorSubcoreMesh(core_axis_name="c", subcore_axis_name="s")
    f = functools.partial(
        pl.kernel,
        mesh=mesh,
        compiler_params=pltpu.CompilerParams(needs_layout_passes=False),
        out_type=jax.ShapeDtypeStruct((B, H, W), jnp.float32),
        scratch_types=[
            pltpu.VMEM((2, CH, HROWS, W), jnp.float32),
            pltpu.VMEM((2, HROWS, 2 * M, W), jnp.float32),
            pltpu.VMEM((2, HROWS, W), jnp.int32),
            pltpu.VMEM((HROWS, W), jnp.float32),
            pltpu.SemaphoreType.DMA,
            pltpu.SemaphoreType.DMA,
            pltpu.SemaphoreType.DMA,
        ],
    )(_body)
    return f(x2d, tl2d, ns3d)


def kernel(x_cat, true_locs, true_n_sources, topk):
    x4 = jnp.transpose(x_cat, (0, 3, 1, 2))
    tl4 = jnp.transpose(true_locs, (0, 1, 3, 4, 2)).reshape(B, H, 2 * M, W)
    ns3d = true_n_sources.astype(jnp.int32)
    return _sc_nll(x4, tl4, ns3d)

# --- scband reference (transcript-rebuilt; emitter-appended) ---
"""Pipeline reference for scband-multi-variational-dist-43396349559207 (READ-ONLY COPY).

The authoritative reference and input builder live on the scoring server;
editing this copy changes nothing except your own understanding.
"""

import jax, jax.numpy as jnp
import numpy as np

SPLIT_SIZES = [1, 4]
REPEAT_TIMES = 4
CHUNK = sum(SPLIT_SIZES)


def setup_inputs(seed: int = 0) -> dict:
    key = jax.random.key(seed)
    k1, k2, k3 = jax.random.split(key, 3)
    x_cat = jax.random.normal(k1, (64, 80, 80, CHUNK * REPEAT_TIMES), dtype=jnp.float32)
    true_locs = jax.random.uniform(k2, (64, 80, 80, REPEAT_TIMES, 2), dtype=jnp.float32)
    true_n_sources = jax.random.randint(k3, (64, 80, 80), 0, 5)
    return {"x_cat": x_cat, "true_locs": true_locs, "true_n_sources": true_n_sources, "topk": 1}


def reference(x_cat, true_locs, true_n_sources, topk):
    b, nth, ntw, _ = x_cat.shape
    m = REPEAT_TIMES
    # _separate_x_cat: split along last dim into repeat_times chunks, then per-factor params
    chunks = jnp.split(x_cat, m, axis=3)  # each (b,nth,ntw,CHUNK)
    logits = jnp.stack([c[..., 0] for c in chunks], axis=-1)            # (b,nth,ntw,m) n_sources factor
    loc_mu = jnp.stack([c[..., 1:3] for c in chunks], axis=-2)          # (b,nth,ntw,m,2)
    loc_sd_raw = jnp.stack([c[..., 3:5] for c in chunks], axis=-2)      # (b,nth,ntw,m,2)
    mean_locs = jax.nn.sigmoid(loc_mu)                                   # mode of locs factor

    # ---- assigner + _match_tile_cat (torch.no_grad) ----
    el = jax.lax.stop_gradient(mean_locs)
    tl = jax.lax.stop_gradient(true_locs)
    diff = el[..., :, None, :] - tl[..., None, :, :]                     # (b,nth,ntw,m,m,2)
    dist = jnp.sqrt(jnp.sum(diff * diff, axis=-1) + 1e-12)              # (b,nth,ntw,m,m)
    valid_true = jnp.arange(m)[None, None, None, :] < true_n_sources[..., None]  # (b,nth,ntw,m)
    dist = dist + jnp.where(valid_true[..., None, :], 0.0, 1e9)
    match = jnp.argmin(dist, axis=-1)                                    # (b,nth,ntw,m) est->true
    any_valid = jnp.any(valid_true, axis=-1, keepdims=True)
    match = jnp.where(any_valid, match, m)                               # unmatched -> pad index m

    # _pad_along_max_sources on true quantities (zero pad row at index m)
    zpad = jnp.zeros_like(true_locs[..., 0:1, :])
    true_locs_pad = jnp.concatenate([true_locs, zpad], axis=-2)          # (b,nth,ntw,m+1,2)
    on_f = valid_true.astype(jnp.float32)
    on_pad = jnp.concatenate([on_f, jnp.zeros_like(on_f[..., 0:1])], axis=-1)  # (b,nth,ntw,m+1)

    target_on = jnp.take_along_axis(on_pad, match, axis=-1)              # (b,nth,ntw,m)
    idx2 = jnp.broadcast_to(match[..., None], match.shape + (2,))
    target_locs = jnp.take_along_axis(true_locs_pad, idx2, axis=-2)      # (b,nth,ntw,m,2)
    target_on = jax.lax.stop_gradient(target_on)
    target_locs = jax.lax.stop_gradient(target_locs)

    # ---- NLLs per factor ----
    # n_sources: Bernoulli with logits; down-weight off-slots by 0.1
    nll_n = jax.nn.softplus(logits) - target_on * logits
    nll_n = jnp.where(target_on > 0.5, nll_n, 0.1 * nll_n)
    # locs: independent Normal(mean=sigmoid(mu), sd=softplus(raw)+eps), gated by matched on-mask
    sd = jax.nn.softplus(loc_sd_raw) + 1e-4
    z = (target_locs - mean_locs) / sd
    nll_l = 0.5 * z * z + jnp.log(sd) + 0.5 * jnp.log(2.0 * jnp.pi)
    nll_l = jnp.sum(nll_l, axis=-1) * target_on

    total_nll = jnp.sum(nll_n + nll_l, axis=-1)                          # (b,nth,ntw)
    return total_nll

if __name__ == "__main__":
    import jax
    _d = setup_inputs()
    print(jax.jit(kernel)(*tuple(_d.values())))

</pallas_src>

<mosaic_0001>
#map = affine_map<(d0, d1) -> (0, 0, 0, 0)>
#map1 = affine_map<(d0, d1) -> (0, 0, 0)>
module attributes {stable_mosaic.version = 14 : i64} {
  func.func @_body(%arg0: i32, %arg1: i32, %arg2: memref<64x20x80x80xf32, #tpu.memory_space<hbm>>, %arg3: memref<64x80x8x80xf32, #tpu.memory_space<hbm>>, %arg4: memref<64x80x80xi32, #tpu.memory_space<hbm>>, %arg5: memref<64x80x80xf32, #tpu.memory_space<hbm>>, %arg6: memref<2x20x16x80xf32, #tpu.memory_space<vmem>>, %arg7: memref<2x16x8x80xf32, #tpu.memory_space<vmem>>, %arg8: memref<2x16x80xi32, #tpu.memory_space<vmem>>, %arg9: memref<16x80xf32, #tpu.memory_space<vmem>>, %arg10: memref<!tpu.dma_semaphore, #tpu.memory_space<semaphore_mem>>, %arg11: memref<!tpu.dma_semaphore, #tpu.memory_space<semaphore_mem>>, %arg12: memref<!tpu.dma_semaphore, #tpu.memory_space<semaphore_mem>>) attributes {dimension_semantics = [#tpu.dimension_semantics<core_parallel>, #tpu.dimension_semantics<subcore_parallel>], iteration_bounds = array<i64: 2, 16>, scalar_prefetch = 0 : i64, scratch_operands = 7 : i64, tpu.core_type = #tpu.core_type<sc_vector_subcore>, window_params = [{transform_indices = #map}, {transform_indices = #map}, {transform_indices = #map1}, {transform_indices = #map1}]} {
    %mul3A = arith.constant 2 : i32
    %mul3A_0 = arith.muli %arg1, %mul3A : i32
    %add3A = arith.addi %mul3A_0, %arg0 : i32
    %mul3A_1 = arith.constant 2 : i32
    %mul3A_2 = arith.muli %mul3A_1, %add3A : i32
    %add3A_3 = arith.constant 0 : i32
    %add3A_4 = arith.addi %mul3A_2, %add3A_3 : i32
    %dma_start3A = arith.constant 0 : i32
    %dma_start3A_5 = arith.constant 0 : i32
    %dma_start3A_6 = arith.constant 0 : i32
    %dma_start3A_7 = arith.constant 0 : i32
    %dma_start3A_8 = tpu.memref_slice %arg6[%dma_start3A, %dma_start3A_5, %dma_start3A_6, %dma_start3A_7] : memref<2x20x16x80xf32, #tpu.memory_space<vmem>> -> memref<1x20x16x80xf32, #tpu.memory_space<vmem>>
    %dma_start3A_9 = tpu.memref_squeeze %dma_start3A_8 : memref<1x20x16x80xf32, #tpu.memory_space<vmem>> -> memref<20x16x80xf32, #tpu.memory_space<vmem>>
    %dma_start3A_10 = arith.constant 0 : i32
    %dma_start3A_11 = arith.constant 0 : i32
    %dma_start3A_12 = arith.constant 0 : i32
    %dma_start3A_13 = tpu.memref_slice %arg2[%add3A_4, %dma_start3A_10, %dma_start3A_11, %dma_start3A_12] : memref<64x20x80x80xf32, #tpu.memory_space<hbm>> -> memref<1x20x16x80xf32, #tpu.memory_space<hbm>>
    %dma_start3A_14 = tpu.memref_squeeze %dma_start3A_13 : memref<1x20x16x80xf32, #tpu.memory_space<hbm>> -> memref<20x16x80xf32, #tpu.memory_space<hbm>>
    %dma_start3A_15 = arith.constant 0 : i32
    %dma_start3A_16 = arith.constant 0 : i32
    %dma_start3A_17 = arith.constant 0 : i32
    %dma_start3A_18 = tpu.memref_slice %arg6[%dma_start3A, %dma_start3A_15, %dma_start3A_16, %dma_start3A_17] : memref<2x20x16x80xf32, #tpu.memory_space<vmem>> -> memref<1x20x16x80xf32, #tpu.memory_space<vmem>>
    %dma_start3A_19 = tpu.memref_squeeze %dma_start3A_18 : memref<1x20x16x80xf32, #tpu.memory_space<vmem>> -> memref<20x16x80xf32, #tpu.memory_space<vmem>>
    %dma_start3A_20 = arith.constant 0 : i32
    %dma_start3A_21 = arith.constant 0 : i32
    %dma_start3A_22 = arith.constant 0 : i32
    %dma_start3A_23 = tpu.memref_slice %arg2[%add3A_4, %dma_start3A_20, %dma_start3A_21, %dma_start3A_22] : memref<64x20x80x80xf32, #tpu.memory_space<hbm>> -> memref<1x20x16x80xf32, #tpu.memory_space<hbm>>
    %dma_start3A_24 = tpu.memref_squeeze %dma_start3A_23 : memref<1x20x16x80xf32, #tpu.memory_space<hbm>> -> memref<20x16x80xf32, #tpu.memory_space<hbm>>
    tpu.enqueue_dma source(%dma_start3A_24 : memref<20x16x80xf32, #tpu.memory_space<hbm>>) target(%dma_start3A_19 : memref<20x16x80xf32, #tpu.memory_space<vmem>>) target_semaphore(%arg10 : memref<!tpu.dma_semaphore, #tpu.memory_space<semaphore_mem>>)
    %dma_start3A_25 = arith.constant 0 : i32
    %dma_start3A_26 = arith.constant 0 : i32
    %dma_start3A_27 = arith.constant 0 : i32
    %dma_start3A_28 = arith.constant 0 : i32
    %dma_start3A_29 = tpu.memref_slice %arg7[%dma_start3A_25, %dma_start3A_26, %dma_start3A_27, %dma_start3A_28] : memref<2x16x8x80xf32, #tpu.memory_space<vmem>> -> memref<1x16x8x80xf32, #tpu.memory_space<vmem>>
    %dma_start3A_30 = tpu.memref_squeeze %dma_start3A_29 : memref<1x16x8x80xf32, #tpu.memory_space<vmem>> -> memref<16x8x80xf32, #tpu.memory_space<vmem>>
    %dma_start3A_31 = arith.constant 0 : i32
    %dma_start3A_32 = arith.constant 0 : i32
    %dma_start3A_33 = arith.constant 0 : i32
    %dma_start3A_34 = tpu.memref_slice %arg3[%add3A_4, %dma_start3A_31, %dma_start3A_32, %dma_start3A_33] : memref<64x80x8x80xf32, #tpu.memory_space<hbm>> -> memref<1x16x8x80xf32, #tpu.memory_space<hbm>>
    %dma_start3A_35 = tpu.memref_squeeze %dma_start3A_34 : memref<1x16x8x80xf32, #tpu.memory_space<hbm>> -> memref<16x8x80xf32, #tpu.memory_space<hbm>>
    %dma_start3A_36 = arith.constant 0 : i32
    %dma_start3A_37 = arith.constant 0 : i32
    %dma_start3A_38 = arith.constant 0 : i32
    %dma_start3A_39 = tpu.memref_slice %arg7[%dma_start3A_25, %dma_start3A_36, %dma_start3A_37, %dma_start3A_38] : memref<2x16x8x80xf32, #tpu.memory_space<vmem>> -> memref<1x16x8x80xf32, #tpu.memory_space<vmem>>
    %dma_start3A_40 = tpu.memref_squeeze %dma_start3A_39 : memref<1x16x8x80xf32, #tpu.memory_space<vmem>> -> memref<16x8x80xf32, #tpu.memory_space<vmem>>
    %dma_start3A_41 = arith.constant 0 : i32
    %dma_start3A_42 = arith.constant 0 : i32
    %dma_start3A_43 = arith.constant 0 : i32
    %dma_start3A_44 = tpu.memref_slice %arg3[%add3A_4, %dma_start3A_41, %dma_start3A_42, %dma_start3A_43] : memref<64x80x8x80xf32, #tpu.memory_space<hbm>> -> memref<1x16x8x80xf32, #tpu.memory_space<hbm>>
    %dma_start3A_45 = tpu.memref_squeeze %dma_start3A_44 : memref<1x16x8x80xf32, #tpu.memory_space<hbm>> -> memref<16x8x80xf32, #tpu.memory_space<hbm>>
    tpu.enqueue_dma source(%dma_start3A_45 : memref<16x8x80xf32, #tpu.memory_space<hbm>>) target(%dma_start3A_40 : memref<16x8x80xf32, #tpu.memory_space<vmem>>) target_semaphore(%arg11 : memref<!tpu.dma_semaphore, #tpu.memory_space<semaphore_mem>>)
    %dma_start3A_46 = arith.constant 0 : i32
    %dma_start3A_47 = arith.constant 0 : i32
    %dma_start3A_48 = arith.constant 0 : i32
    %dma_start3A_49 = tpu.memref_slice %arg8[%dma_start3A_46, %dma_start3A_47, %dma_start3A_48] : memref<2x16x80xi32, #tpu.memory_space<vmem>> -> memref<1x16x80xi32, #tpu.memory_space<vmem>>
    %dma_start3A_50 = tpu.memref_squeeze %dma_start3A_49 : memref<1x16x80xi32, #tpu.memory_space<vmem>> -> memref<16x80xi32, #tpu.memory_space<vmem>>
    %dma_start3A_51 = arith.constant 0 : i32
    %dma_start3A_52 = arith.constant 0 : i32
    %dma_start3A_53 = tpu.memref_slice %arg4[%add3A_4, %dma_start3A_51, %dma_start3A_52] : memref<64x80x80xi32, #tpu.memory_space<hbm>> -> memref<1x16x80xi32, #tpu.memory_space<hbm>>
    %dma_start3A_54 = tpu.memref_squeeze %dma_start3A_53 : memref<1x16x80xi32, #tpu.memory_space<hbm>> -> memref<16x80xi32, #tpu.memory_space<hbm>>
    %dma_start3A_55 = arith.constant 0 : i32
    %dma_start3A_56 = arith.constant 0 : i32
    %dma_start3A_57 = tpu.memref_slice %arg8[%dma_start3A_46, %dma_start3A_55, %dma_start3A_56] : memref<2x16x80xi32, #tpu.memory_space<vmem>> -> memref<1x16x80xi32, #tpu.memory_space<vmem>>
    %dma_start3A_58 = tpu.memref_squeeze %dma_start3A_57 : memref<1x16x80xi32, #tpu.memory_space<vmem>> -> memref<16x80xi32, #tpu.memory_space<vmem>>
    %dma_start3A_59 = arith.constant 0 : i32
    %dma_start3A_60 = arith.constant 0 : i32
    %dma_start3A_61 = tpu.memref_slice %arg4[%add3A_4, %dma_start3A_59, %dma_start3A_60] : memref<64x80x80xi32, #tpu.memory_space<hbm>> -> memref<1x16x80xi32, #tpu.memory_space<hbm>>
    %dma_start3A_62 = tpu.memref_squeeze %dma_start3A_61 : memref<1x16x80xi32, #tpu.memory_space<hbm>> -> memref<16x80xi32, #tpu.memory_space<hbm>>
    tpu.enqueue_dma source(%dma_start3A_62 : memref<16x80xi32, #tpu.memory_space<hbm>>) target(%dma_start3A_58 : memref<16x80xi32, #tpu.memory_space<vmem>>) target_semaphore(%arg12 : memref<!tpu.dma_semaphore, #tpu.memory_space<semaphore_mem>>)
    %scan3A = arith.constant 0 : i32
    %scan3A_63 = arith.constant 0 : i32
    %scan3A_64 = arith.constant 10 : i32
    %scan3A_65 = arith.addi %scan3A_63, %scan3A_64 : i32
    %scan3A_66 = arith.constant 1 : i32
    %scan3A_67 = scf.for %scan3A_69 = %scan3A_63 to %scan3A_65 step %scan3A_66 iter_args(%scan3A_70 = %scan3A) -> (i32)  : i32 {
      %jit3A = arith.constant 2 : i32
      %eq3A = arith.constant 0 : i32
      %eq3A_71 = arith.cmpi eq, %jit3A, %eq3A : i32
      %jit3A_72 = arith.constant 1 : i32
      %select_n3A = arith.select %eq3A_71, %jit3A_72, %jit3A : i32
      %rem3A = arith.remsi %scan3A_69, %select_n3A : i32
      %ne3A = arith.constant 0 : i32
      %ne3A_73 = arith.cmpi ne, %rem3A, %ne3A : i32
      %lt3A = arith.constant 0 : i32
      %lt3A_74 = arith.cmpi slt, %rem3A, %lt3A : i32
      %lt3A_75 = arith.constant 0 : i32
      %lt3A_76 = arith.cmpi slt, %select_n3A, %lt3A_75 : i32
      %ne3A_77 = arith.xori %lt3A_74, %lt3A_76 : i1
      %and3A = arith.andi %ne3A_77, %ne3A_73 : i1
      %add3A_78 = arith.addi %rem3A, %select_n3A : i32
      %select_n3A_79 = arith.select %and3A, %add3A_78, %rem3A : i32
      %mul3A_80 = arith.constant 2 : i32
      %mul3A_81 = arith.muli %mul3A_80, %add3A : i32
      %jit3A_82 = arith.constant 5 : i32
      %div3A = arith.divsi %scan3A_69, %jit3A_82 : i32
      %sign3A = arith.constant 0 : i32
      %sign3A_83 = arith.cmpi sgt, %scan3A_69, %sign3A : i32
      %sign3A_84 = arith.extui %sign3A_83 : i1 to i32
      %sign3A_85 = arith.constant 0 : i32
      %sign3A_86 = arith.cmpi slt, %scan3A_69, %sign3A_85 : i32
      %sign3A_87 = arith.extui %sign3A_86 : i1 to i32
      %sign3A_88 = arith.subi %sign3A_84, %sign3A_87 : i32
      %sign3A_89 = arith.constant 0 : i32
      %sign3A_90 = arith.cmpi sgt, %jit3A_82, %sign3A_89 : i32
      %sign3A_91 = arith.extui %sign3A_90 : i1 to i32
      %sign3A_92 = arith.constant 0 : i32
      %sign3A_93 = arith.cmpi slt, %jit3A_82, %sign3A_92 : i32
      %sign3A_94 = arith.extui %sign3A_93 : i1 to i32
      %sign3A_95 = arith.subi %sign3A_91, %sign3A_94 : i32
      %ne3A_96 = arith.cmpi ne, %sign3A_88, %sign3A_95 : i32
      %rem3A_97 = arith.remsi %scan3A_69, %jit3A_82 : i32
      %ne3A_98 = arith.constant 0 : i32
      %ne3A_99 = arith.cmpi ne, %rem3A_97, %ne3A_98 : i32
      %and3A_100 = arith.andi %ne3A_96, %ne3A_99 : i1
      %sub3A = arith.constant 1 : i32
      %sub3A_101 = arith.subi %div3A, %sub3A : i32
      %select_n3A_102 = arith.select %and3A_100, %sub3A_101, %div3A : i32
      %add3A_103 = arith.addi %mul3A_81, %select_n3A_102 : i32
      %jit3A_104 = arith.constant 5 : i32
      %eq3A_105 = arith.constant 0 : i32
      %eq3A_106 = arith.cmpi eq, %jit3A_104, %eq3A_105 : i32
      %jit3A_107 = arith.constant 1 : i32
      %select_n3A_108 = arith.select %eq3A_106, %jit3A_107, %jit3A_104 : i32
      %rem3A_109 = arith.remsi %scan3A_69, %select_n3A_108 : i32
      %ne3A_110 = arith.constant 0 : i32
      %ne3A_111 = arith.cmpi ne, %rem3A_109, %ne3A_110 : i32
      %lt3A_112 = arith.constant 0 : i32
      %lt3A_113 = arith.cmpi slt, %rem3A_109, %lt3A_112 : i32
      %lt3A_114 = arith.constant 0 : i32
      %lt3A_115 = arith.cmpi slt, %select_n3A_108, %lt3A_114 : i32
      %ne3A_116 = arith.xori %lt3A_113, %lt3A_115 : i1
      %and3A_117 = arith.andi %ne3A_116, %ne3A_111 : i1
      %add3A_118 = arith.addi %rem3A_109, %select_n3A_108 : i32
      %select_n3A_119 = arith.select %and3A_117, %add3A_118, %rem3A_109 : i32
      %mul3A_120 = arith.constant 16 : i32
      %mul3A_121 = arith.muli %select_n3A_119, %mul3A_120 : i32
      %dma_wait3A = arith.constant 0 : i32
      %dma_wait3A_122 = arith.constant 0 : i32
      %dma_wait3A_123 = arith.constant 0 : i32
      %dma_wait3A_124 = tpu.memref_slice %arg6[%select_n3A_79, %dma_wait3A, %dma_wait3A_122, %dma_wait3A_123] : memref<2x20x16x80xf32, #tpu.memory_space<vmem>> -> memref<1x20x16x80xf32, #tpu.memory_space<vmem>>
      %dma_wait3A_125 = tpu.memref_squeeze %dma_wait3A_124 : memref<1x20x16x80xf32, #tpu.memory_space<vmem>> -> memref<20x16x80xf32, #tpu.memory_space<vmem>>
      %dma_wait3A_126 = arith.constant 0 : i32
      %dma_wait3A_127 = arith.constant 0 : i32
      %dma_wait3A_128 = tpu.memref_slice %arg2[%add3A_103, %dma_wait3A_126, %mul3A_121, %dma_wait3A_127] : memref<64x20x80x80xf32, #tpu.memory_space<hbm>> -> memref<1x20x16x80xf32, #tpu.memory_space<hbm>>
      %dma_wait3A_129 = tpu.memref_squeeze %dma_wait3A_128 : memref<1x20x16x80xf32, #tpu.memory_space<hbm>> -> memref<20x16x80xf32, #tpu.memory_space<hbm>>
      %dma_wait3A_130 = arith.constant 0 : i32
      %dma_wait3A_131 = arith.constant 0 : i32
      %dma_wait3A_132 = arith.constant 0 : i32
      %dma_wait3A_133 = tpu.memref_slice %arg6[%select_n3A_79, %dma_wait3A_130, %dma_wait3A_131, %dma_wait3A_132] : memref<2x20x16x80xf32, #tpu.memory_space<vmem>> -> memref<1x20x16x80xf32, #tpu.memory_space<vmem>>
      %dma_wait3A_134 = tpu.memref_squeeze %dma_wait3A_133 : memref<1x20x16x80xf32, #tpu.memory_space<vmem>> -> memref<20x16x80xf32, #tpu.memory_space<vmem>>
      %dma_wait3A_135 = arith.constant 0 : i32
      %dma_wait3A_136 = arith.constant 0 : i32
      %dma_wait3A_137 = tpu.memref_slice %arg2[%add3A_103, %dma_wait3A_135, %mul3A_121, %dma_wait3A_136] : memref<64x20x80x80xf32, #tpu.memory_space<hbm>> -> memref<1x20x16x80xf32, #tpu.memory_space<hbm>>
      %dma_wait3A_138 = tpu.memref_squeeze %dma_wait3A_137 : memref<1x20x16x80xf32, #tpu.memory_space<hbm>> -> memref<20x16x80xf32, #tpu.memory_space<hbm>>
      tpu.wait_dma2 semaphore(%arg10 : memref<!tpu.dma_semaphore, #tpu.memory_space<semaphore_mem>>) src(%dma_wait3A_138 : memref<20x16x80xf32, #tpu.memory_space<hbm>>) dst(%dma_wait3A_134 : memref<20x16x80xf32, #tpu.memory_space<vmem>>)
      %dma_wait3A_139 = arith.constant 0 : i32
      %dma_wait3A_140 = arith.constant 0 : i32
      %dma_wait3A_141 = arith.constant 0 : i32
      %dma_wait3A_142 = tpu.memref_slice %arg7[%select_n3A_79, %dma_wait3A_139, %dma_wait3A_140, %dma_wait3A_141] : memref<2x16x8x80xf32, #tpu.memory_space<vmem>> -> memref<1x16x8x80xf32, #tpu.memory_space<vmem>>
      %dma_wait3A_143 = tpu.memref_squeeze %dma_wait3A_142 : memref<1x16x8x80xf32, #tpu.memory_space<vmem>> -> memref<16x8x80xf32, #tpu.memory_space<vmem>>
      %dma_wait3A_144 = arith.constant 0 : i32
      %dma_wait3A_145 = arith.constant 0 : i32
      %dma_wait3A_146 = tpu.memref_slice %arg3[%add3A_103, %mul3A_121, %dma_wait3A_144, %dma_wait3A_145] : memref<64x80x8x80xf32, #tpu.memory_space<hbm>> -> memref<1x16x8x80xf32, #tpu.memory_space<hbm>>
      %dma_wait3A_147 = tpu.memref_squeeze %dma_wait3A_146 : memref<1x16x8x80xf32, #tpu.memory_space<hbm>> -> memref<16x8x80xf32, #tpu.memory_space<hbm>>
      %dma_wait3A_148 = arith.constant 0 : i32
      %dma_wait3A_149 = arith.constant 0 : i32
      %dma_wait3A_150 = arith.constant 0 : i32
      %dma_wait3A_151 = tpu.memref_slice %arg7[%select_n3A_79, %dma_wait3A_148, %dma_wait3A_149, %dma_wait3A_150] : memref<2x16x8x80xf32, #tpu.memory_space<vmem>> -> memref<1x16x8x80xf32, #tpu.memory_space<vmem>>
      %dma_wait3A_152 = tpu.memref_squeeze %dma_wait3A_151 : memref<1x16x8x80xf32, #tpu.memory_space<vmem>> -> memref<16x8x80xf32, #tpu.memory_space<vmem>>
      %dma_wait3A_153 = arith.constant 0 : i32
      %dma_wait3A_154 = arith.constant 0 : i32
      %dma_wait3A_155 = tpu.memref_slice %arg3[%add3A_103, %mul3A_121, %dma_wait3A_153, %dma_wait3A_154] : memref<64x80x8x80xf32, #tpu.memory_space<hbm>> -> memref<1x16x8x80xf32, #tpu.memory_space<hbm>>
      %dma_wait3A_156 = tpu.memref_squeeze %dma_wait3A_155 : memref<1x16x8x80xf32, #tpu.memory_space<hbm>> -> memref<16x8x80xf32, #tpu.memory_space<hbm>>
      tpu.wait_dma2 semaphore(%arg11 : memref<!tpu.dma_semaphore, #tpu.memory_space<semaphore_mem>>) src(%dma_wait3A_156 : memref<16x8x80xf32, #tpu.memory_space<hbm>>) dst(%dma_wait3A_152 : memref<16x8x80xf32, #tpu.memory_space<vmem>>)
      %dma_wait3A_157 = arith.constant 0 : i32
      %dma_wait3A_158 = arith.constant 0 : i32
      %dma_wait3A_159 = tpu.memref_slice %arg8[%select_n3A_79, %dma_wait3A_157, %dma_wait3A_158] : memref<2x16x80xi32, #tpu.memory_space<vmem>> -> memref<1x16x80xi32, #tpu.memory_space<vmem>>
      %dma_wait3A_160 = tpu.memref_squeeze %dma_wait3A_159 : memref<1x16x80xi32, #tpu.memory_space<vmem>> -> memref<16x80xi32, #tpu.memory_space<vmem>>
      %dma_wait3A_161 = arith.constant 0 : i32
      %dma_wait3A_162 = tpu.memref_slice %arg4[%add3A_103, %mul3A_121, %dma_wait3A_161] : memref<64x80x80xi32, #tpu.memory_space<hbm>> -> memref<1x16x80xi32, #tpu.memory_space<hbm>>
      %dma_wait3A_163 = tpu.memref_squeeze %dma_wait3A_162 : memref<1x16x80xi32, #tpu.memory_space<hbm>> -> memref<16x80xi32, #tpu.memory_space<hbm>>
      %dma_wait3A_164 = arith.constant 0 : i32
      %dma_wait3A_165 = arith.constant 0 : i32
      %dma_wait3A_166 = tpu.memref_slice %arg8[%select_n3A_79, %dma_wait3A_164, %dma_wait3A_165] : memref<2x16x80xi32, #tpu.memory_space<vmem>> -> memref<1x16x80xi32, #tpu.memory_space<vmem>>
      %dma_wait3A_167 = tpu.memref_squeeze %dma_wait3A_166 : memref<1x16x80xi32, #tpu.memory_space<vmem>> -> memref<16x80xi32, #tpu.memory_space<vmem>>
      %dma_wait3A_168 = arith.constant 0 : i32
      %dma_wait3A_169 = tpu.memref_slice %arg4[%add3A_103, %mul3A_121, %dma_wait3A_168] : memref<64x80x80xi32, #tpu.memory_space<hbm>> -> memref<1x16x80xi32, #tpu.memory_space<hbm>>
      %dma_wait3A_170 = tpu.memref_squeeze %dma_wait3A_169 : memref<1x16x80xi32, #tpu.memory_space<hbm>> -> memref<16x80xi32, #tpu.memory_space<hbm>>
      tpu.wait_dma2 semaphore(%arg12 : memref<!tpu.dma_semaphore, #tpu.memory_space<semaphore_mem>>) src(%dma_wait3A_170 : memref<16x80xi32, #tpu.memory_space<hbm>>) dst(%dma_wait3A_167 : memref<16x80xi32, #tpu.memory_space<vmem>>)
      %lt3A_171 = arith.constant 9 : i32
      %lt3A_172 = arith.cmpi slt, %scan3A_69, %lt3A_171 : i32
      %convert_element_type3A = arith.extui %lt3A_172 : i1 to i32
      %cond3A = arith.constant 0 : i32
      %cond3A_173 = arith.cmpi ne, %convert_element_type3A, %cond3A : i32
      scf.if %cond3A_173 {
        %add3A_182 = arith.constant 1 : i32
        %add3A_183 = arith.addi %scan3A_69, %add3A_182 : i32
        %sub3A_184 = arith.constant 1 : i32
        %sub3A_185 = arith.subi %sub3A_184, %select_n3A_79 : i32
        %mul3A_186 = arith.constant 2 : i32
        %mul3A_187 = arith.muli %mul3A_186, %add3A : i32
        %jit3A_188 = arith.constant 5 : i32
        %div3A_189 = arith.divsi %add3A_183, %jit3A_188 : i32
        %sign3A_190 = arith.constant 0 : i32
        %sign3A_191 = arith.cmpi sgt, %add3A_183, %sign3A_190 : i32
        %sign3A_192 = arith.extui %sign3A_191 : i1 to i32
        %sign3A_193 = arith.constant 0 : i32
        %sign3A_194 = arith.cmpi slt, %add3A_183, %sign3A_193 : i32
        %sign3A_195 = arith.extui %sign3A_194 : i1 to i32
        %sign3A_196 = arith.subi %sign3A_192, %sign3A_195 : i32
        %sign3A_197 = arith.constant 0 : i32
        %sign3A_198 = arith.cmpi sgt, %jit3A_188, %sign3A_197 : i32
        %sign3A_199 = arith.extui %sign3A_198 : i1 to i32
        %sign3A_200 = arith.constant 0 : i32
        %sign3A_201 = arith.cmpi slt, %jit3A_188, %sign3A_200 : i32
        %sign3A_202 = arith.extui %sign3A_201 : i1 to i32
        %sign3A_203 = arith.subi %sign3A_199, %sign3A_202 : i32
        %ne3A_204 = arith.cmpi ne, %sign3A_196, %sign3A_203 : i32
        %rem3A_205 = arith.remsi %add3A_183, %jit3A_188 : i32
        %ne3A_206 = arith.constant 0 : i32
        %ne3A_207 = arith.cmpi ne, %rem3A_205, %ne3A_206 : i32
        %and3A_208 = arith.andi %ne3A_204, %ne3A_207 : i1
        %sub3A_209 = arith.constant 1 : i32
        %sub3A_210 = arith.subi %div3A_189, %sub3A_209 : i32
        %select_n3A_211 = arith.select %and3A_208, %sub3A_210, %div3A_189 : i32
        %add3A_212 = arith.addi %mul3A_187, %select_n3A_211 : i32
        %jit3A_213 = arith.constant 5 : i32
        %eq3A_214 = arith.constant 0 : i32
        %eq3A_215 = arith.cmpi eq, %jit3A_213, %eq3A_214 : i32
        %jit3A_216 = arith.constant 1 : i32
        %select_n3A_217 = arith.select %eq3A_215, %jit3A_216, %jit3A_213 : i32
        %rem3A_218 = arith.remsi %add3A_183, %select_n3A_217 : i32
        %ne3A_219 = arith.constant 0 : i32
        %ne3A_220 = arith.cmpi ne, %rem3A_218, %ne3A_219 : i32
        %lt3A_221 = arith.constant 0 : i32
        %lt3A_222 = arith.cmpi slt, %rem3A_218, %lt3A_221 : i32
        %lt3A_223 = arith.constant 0 : i32
        %lt3A_224 = arith.cmpi slt, %select_n3A_217, %lt3A_223 : i32
        %ne3A_225 = arith.xori %lt3A_222, %lt3A_224 : i1
        %and3A_226 = arith.andi %ne3A_225, %ne3A_220 : i1
        %add3A_227 = arith.addi %rem3A_218, %select_n3A_217 : i32
        %select_n3A_228 = arith.select %and3A_226, %add3A_227, %rem3A_218 : i32
        %mul3A_229 = arith.constant 16 : i32
        %mul3A_230 = arith.muli %select_n3A_228, %mul3A_229 : i32
        %dma_start3A_231 = arith.constant 0 : i32
        %dma_start3A_232 = arith.constant 0 : i32
        %dma_start3A_233 = arith.constant 0 : i32
        %dma_start3A_234 = tpu.memref_slice %arg6[%sub3A_185, %dma_start3A_231, %dma_start3A_232, %dma_start3A_233] : memref<2x20x16x80xf32, #tpu.memory_space<vmem>> -> memref<1x20x16x80xf32, #tpu.memory_space<vmem>>
        %dma_start3A_235 = tpu.memref_squeeze %dma_start3A_234 : memref<1x20x16x80xf32, #tpu.memory_space<vmem>> -> memref<20x16x80xf32, #tpu.memory_space<vmem>>
        %dma_start3A_236 = arith.constant 0 : i32
        %dma_start3A_237 = arith.constant 0 : i32
        %dma_start3A_238 = tpu.memref_slice %arg2[%add3A_212, %dma_start3A_236, %mul3A_230, %dma_start3A_237] : memref<64x20x80x80xf32, #tpu.memory_space<hbm>> -> memref<1x20x16x80xf32, #tpu.memory_space<hbm>>
        %dma_start3A_239 = tpu.memref_squeeze %dma_start3A_238 : memref<1x20x16x80xf32, #tpu.memory_space<hbm>> -> memref<20x16x80xf32, #tpu.memory_space<hbm>>
        %dma_start3A_240 = arith.constant 0 : i32
        %dma_start3A_241 = arith.constant 0 : i32
        %dma_start3A_242 = arith.constant 0 : i32
        %dma_start3A_243 = tpu.memref_slice %arg6[%sub3A_185, %dma_start3A_240, %dma_start3A_241, %dma_start3A_242] : memref<2x20x16x80xf32, #tpu.memory_space<vmem>> -> memref<1x20x16x80xf32, #tpu.memory_space<vmem>>
        %dma_start3A_244 = tpu.memref_squeeze %dma_start3A_243 : memref<1x20x16x80xf32, #tpu.memory_space<vmem>> -> memref<20x16x80xf32, #tpu.memory_space<vmem>>
        %dma_start3A_245 = arith.constant 0 : i32
        %dma_start3A_246 = arith.constant 0 : i32
        %dma_start3A_247 = tpu.memref_slice %arg2[%add3A_212, %dma_start3A_245, %mul3A_230, %dma_start3A_246] : memref<64x20x80x80xf32, #tpu.memory_space<hbm>> -> memref<1x20x16x80xf32, #tpu.memory_space<hbm>>
        %dma_start3A_248 = tpu.memref_squeeze %dma_start3A_247 : memref<1x20x16x80xf32, #tpu.memory_space<hbm>> -> memref<20x16x80xf32, #tpu.memory_space<hbm>>
        tpu.enqueue_dma source(%dma_start3A_248 : memref<20x16x80xf32, #tpu.memory_space<hbm>>) target(%dma_start3A_244 : memref<20x16x80xf32, #tpu.memory_space<vmem>>) target_semaphore(%arg10 : memref<!tpu.dma_semaphore, #tpu.memory_space<semaphore_mem>>)
        %dma_start3A_249 = arith.constant 0 : i32
        %dma_start3A_250 = arith.constant 0 : i32
        %dma_start3A_251 = arith.constant 0 : i32
        %dma_start3A_252 = tpu.memref_slice %arg7[%sub3A_185, %dma_start3A_249, %dma_start3A_250, %dma_start3A_251] : memref<2x16x8x80xf32, #tpu.memory_space<vmem>> -> memref<1x16x8x80xf32, #tpu.memory_space<vmem>>
        %dma_start3A_253 = tpu.memref_squeeze %dma_start3A_252 : memref<1x16x8x80xf32, #tpu.memory_space<vmem>> -> memref<16x8x80xf32, #tpu.memory_space<vmem>>
        %dma_start3A_254 = arith.constant 0 : i32
        %dma_start3A_255 = arith.constant 0 : i32
        %dma_start3A_256 = tpu.memref_slice %arg3[%add3A_212, %mul3A_230, %dma_start3A_254, %dma_start3A_255] : memref<64x80x8x80xf32, #tpu.memory_space<hbm>> -> memref<1x16x8x80xf32, #tpu.memory_space<hbm>>
        %dma_start3A_257 = tpu.memref_squeeze %dma_start3A_256 : memref<1x16x8x80xf32, #tpu.memory_space<hbm>> -> memref<16x8x80xf32, #tpu.memory_space<hbm>>
        %dma_start3A_258 = arith.constant 0 : i32
        %dma_start3A_259 = arith.constant 0 : i32
        %dma_start3A_260 = arith.constant 0 : i32
        %dma_start3A_261 = tpu.memref_slice %arg7[%sub3A_185, %dma_start3A_258, %dma_start3A_259, %dma_start3A_260] : memref<2x16x8x80xf32, #tpu.memory_space<vmem>> -> memref<1x16x8x80xf32, #tpu.memory_space<vmem>>
        %dma_start3A_262 = tpu.memref_squeeze %dma_start3A_261 : memref<1x16x8x80xf32, #tpu.memory_space<vmem>> -> memref<16x8x80xf32, #tpu.memory_space<vmem>>
        %dma_start3A_263 = arith.constant 0 : i32
        %dma_start3A_264 = arith.constant 0 : i32
        %dma_start3A_265 = tpu.memref_slice %arg3[%add3A_212, %mul3A_230, %dma_start3A_263, %dma_start3A_264] : memref<64x80x8x80xf32, #tpu.memory_space<hbm>> -> memref<1x16x8x80xf32, #tpu.memory_space<hbm>>
        %dma_start3A_266 = tpu.memref_squeeze %dma_start3A_265 : memref<1x16x8x80xf32, #tpu.memory_space<hbm>> -> memref<16x8x80xf32, #tpu.memory_space<hbm>>
        tpu.enqueue_dma source(%dma_start3A_266 : memref<16x8x80xf32, #tpu.memory_space<hbm>>) target(%dma_start3A_262 : memref<16x8x80xf32, #tpu.memory_space<vmem>>) target_semaphore(%arg11 : memref<!tpu.dma_semaphore, #tpu.memory_space<semaphore_mem>>)
        %dma_start3A_267 = arith.constant 0 : i32
        %dma_start3A_268 = arith.constant 0 : i32
        %dma_start3A_269 = tpu.memref_slice %arg8[%sub3A_185, %dma_start3A_267, %dma_start3A_268] : memref<2x16x80xi32, #tpu.memory_space<vmem>> -> memref<1x16x80xi32, #tpu.memory_space<vmem>>
        %dma_start3A_270 = tpu.memref_squeeze %dma_start3A_269 : memref<1x16x80xi32, #tpu.memory_space<vmem>> -> memref<16x80xi32, #tpu.memory_space<vmem>>
        %dma_start3A_271 = arith.constant 0 : i32
        %dma_start3A_272 = tpu.memref_slice %arg4[%add3A_212, %mul3A_230, %dma_start3A_271] : memref<64x80x80xi32, #tpu.memory_space<hbm>> -> memref<1x16x80xi32, #tpu.memory_space<hbm>>
        %dma_start3A_273 = tpu.memref_squeeze %dma_start3A_272 : memref<1x16x80xi32, #tpu.memory_space<hbm>> -> memref<16x80xi32, #tpu.memory_space<hbm>>
        %dma_start3A_274 = arith.constant 0 : i32
        %dma_start3A_275 = arith.constant 0 : i32
        %dma_start3A_276 = tpu.memref_slice %arg8[%sub3A_185, %dma_start3A_274, %dma_start3A_275] : memref<2x16x80xi32, #tpu.memory_space<vmem>> -> memref<1x16x80xi32, #tpu.memory_space<vmem>>
        %dma_start3A_277 = tpu.memref_squeeze %dma_start3A_276 : memref<1x16x80xi32, #tpu.memory_space<vmem>> -> memref<16x80xi32, #tpu.memory_space<vmem>>
        %dma_start3A_278 = arith.constant 0 : i32
        %dma_start3A_279 = tpu.memref_slice %arg4[%add3A_212, %mul3A_230, %dma_start3A_278] : memref<64x80x80xi32, #tpu.memory_space<hbm>> -> memref<1x16x80xi32, #tpu.memory_space<hbm>>
        %dma_start3A_280 = tpu.memref_squeeze %dma_start3A_279 : memref<1x16x80xi32, #tpu.memory_space<hbm>> -> memref<16x80xi32, #tpu.memory_space<hbm>>
        tpu.enqueue_dma source(%dma_start3A_280 : memref<16x80xi32, #tpu.memory_space<hbm>>) target(%dma_start3A_277 : memref<16x80xi32, #tpu.memory_space<vmem>>) target_semaphore(%arg12 : memref<!tpu.dma_semaphore, #tpu.memory_space<semaphore_mem>>)
      } else {
      }
      %scan3A_174 = arith.constant 0 : i32
      %scan3A_175 = arith.constant 0 : i32
      %scan3A_176 = arith.constant 80 : i32
      %scan3A_177 = arith.addi %scan3A_175, %scan3A_176 : i32
      %scan3A_178 = arith.constant 1 : i32
      %scan3A_179 = scf.for %scan3A_182 = %scan3A_175 to %scan3A_177 step %scan3A_178 iter_args(%scan3A_183 = %scan3A_174) -> (i32)  : i32 {
        %jit3A_184 = arith.constant 5 : i32
        %div3A_185 = arith.divsi %scan3A_182, %jit3A_184 : i32
        %sign3A_186 = arith.constant 0 : i32
        %sign3A_187 = arith.cmpi sgt, %scan3A_182, %sign3A_186 : i32
        %sign3A_188 = arith.extui %sign3A_187 : i1 to i32
        %sign3A_189 = arith.constant 0 : i32
        %sign3A_190 = arith.cmpi slt, %scan3A_182, %sign3A_189 : i32
        %sign3A_191 = arith.extui %sign3A_190 : i1 to i32
        %sign3A_192 = arith.subi %sign3A_188, %sign3A_191 : i32
        %sign3A_193 = arith.constant 0 : i32
        %sign3A_194 = arith.cmpi sgt, %jit3A_184, %sign3A_193 : i32
        %sign3A_195 = arith.extui %sign3A_194 : i1 to i32
        %sign3A_196 = arith.constant 0 : i32
        %sign3A_197 = arith.cmpi slt, %jit3A_184, %sign3A_196 : i32
        %sign3A_198 = arith.extui %sign3A_197 : i1 to i32
        %sign3A_199 = arith.subi %sign3A_195, %sign3A_198 : i32
        %ne3A_200 = arith.cmpi ne, %sign3A_192, %sign3A_199 : i32
        %rem3A_201 = arith.remsi %scan3A_182, %jit3A_184 : i32
        %ne3A_202 = arith.constant 0 : i32
        %ne3A_203 = arith.cmpi ne, %rem3A_201, %ne3A_202 : i32
        %and3A_204 = arith.andi %ne3A_200, %ne3A_203 : i1
        %sub3A_205 = arith.constant 1 : i32
        %sub3A_206 = arith.subi %div3A_185, %sub3A_205 : i32
        %select_n3A_207 = arith.select %and3A_204, %sub3A_206, %div3A_185 : i32
        %jit3A_208 = arith.constant 5 : i32
        %eq3A_209 = arith.constant 0 : i32
        %eq3A_210 = arith.cmpi eq, %jit3A_208, %eq3A_209 : i32
        %jit3A_211 = arith.constant 1 : i32
        %select_n3A_212 = arith.select %eq3A_210, %jit3A_211, %jit3A_208 : i32
        %rem3A_213 = arith.remsi %scan3A_182, %select_n3A_212 : i32
        %ne3A_214 = arith.constant 0 : i32
        %ne3A_215 = arith.cmpi ne, %rem3A_213, %ne3A_214 : i32
        %lt3A_216 = arith.constant 0 : i32
        %lt3A_217 = arith.cmpi slt, %rem3A_213, %lt3A_216 : i32
        %lt3A_218 = arith.constant 0 : i32
        %lt3A_219 = arith.cmpi slt, %select_n3A_212, %lt3A_218 : i32
        %ne3A_220 = arith.xori %lt3A_217, %lt3A_219 : i1
        %and3A_221 = arith.andi %ne3A_220, %ne3A_215 : i1
        %add3A_222 = arith.addi %rem3A_213, %select_n3A_212 : i32
        %select_n3A_223 = arith.select %and3A_221, %add3A_222, %rem3A_213 : i32
        %mul3A_224 = arith.constant 16 : i32
        %mul3A_225 = arith.muli %select_n3A_223, %mul3A_224 : i32
        %get3A = arith.index_cast %select_n3A_79 : i32 to index
        %get3A_226 = arith.index_cast %select_n3A_207 : i32 to index
        %get3A_227 = arith.index_cast %mul3A_225 : i32 to index
        %get3A_228 = tpu.vector_load %arg8[%get3A, %get3A_226, %get3A_227] {strides = array<i32>} : memref<2x16x80xi32, #tpu.memory_space<vmem>>, vector<16xi32>,
        %gt3A = arith.constant 0 : i32
        %gt3A_229 = vector.broadcast %gt3A : i32 to vector<16xi32>
        %gt3A_230 = arith.cmpi sgt, %get3A_228, %gt3A_229 : vector<16xi32>
        %gt3A_231 = arith.constant 0 : i32
        %gt3A_232 = vector.broadcast %gt3A_231 : i32 to vector<16xi32>
        %gt3A_233 = arith.cmpi sgt, %get3A_228, %gt3A_232 : vector<16xi32>
        %gt3A_234 = arith.constant 1 : i32
        %gt3A_235 = vector.broadcast %gt3A_234 : i32 to vector<16xi32>
        %gt3A_236 = arith.cmpi sgt, %get3A_228, %gt3A_235 : vector<16xi32>
        %gt3A_237 = arith.constant 2 : i32
        %gt3A_238 = vector.broadcast %gt3A_237 : i32 to vector<16xi32>
        %gt3A_239 = arith.cmpi sgt, %get3A_228, %gt3A_238 : vector<16xi32>
        %gt3A_240 = arith.constant 3 : i32
        %gt3A_241 = vector.broadcast %gt3A_240 : i32 to vector<16xi32>
        %gt3A_242 = arith.cmpi sgt, %get3A_228, %gt3A_241 : vector<16xi32>
        %get3A_243 = arith.constant 0 : i32
        %get3A_244 = arith.index_cast %select_n3A_79 : i32 to index
        %get3A_245 = arith.index_cast %select_n3A_207 : i32 to index
        %get3A_246 = arith.index_cast %get3A_243 : i32 to index
        %get3A_247 = arith.index_cast %mul3A_225 : i32 to index
        %get3A_248 = tpu.vector_load %arg7[%get3A_244, %get3A_245, %get3A_246, %get3A_247] {strides = array<i32>} : memref<2x16x8x80xf32, #tpu.memory_space<vmem>>, vector<16xf32>,
        %get3A_249 = arith.constant 2 : i32
        %get3A_250 = arith.index_cast %select_n3A_79 : i32 to index
        %get3A_251 = arith.index_cast %select_n3A_207 : i32 to index
        %get3A_252 = arith.index_cast %get3A_249 : i32 to index
        %get3A_253 = arith.index_cast %mul3A_225 : i32 to index
        %get3A_254 = tpu.vector_load %arg7[%get3A_250, %get3A_251, %get3A_252, %get3A_253] {strides = array<i32>} : memref<2x16x8x80xf32, #tpu.memory_space<vmem>>, vector<16xf32>,
        %get3A_255 = arith.constant 4 : i32
        %get3A_256 = arith.index_cast %select_n3A_79 : i32 to index
        %get3A_257 = arith.index_cast %select_n3A_207 : i32 to index
        %get3A_258 = arith.index_cast %get3A_255 : i32 to index
        %get3A_259 = arith.index_cast %mul3A_225 : i32 to index
        %get3A_260 = tpu.vector_load %arg7[%get3A_256, %get3A_257, %get3A_258, %get3A_259] {strides = array<i32>} : memref<2x16x8x80xf32, #tpu.memory_space<vmem>>, vector<16xf32>,
        %get3A_261 = arith.constant 6 : i32
        %get3A_262 = arith.index_cast %select_n3A_79 : i32 to index
        %get3A_263 = arith.index_cast %select_n3A_207 : i32 to index
        %get3A_264 = arith.index_cast %get3A_261 : i32 to index
        %get3A_265 = arith.index_cast %mul3A_225 : i32 to index
        %get3A_266 = tpu.vector_load %arg7[%get3A_262, %get3A_263, %get3A_264, %get3A_265] {strides = array<i32>} : memref<2x16x8x80xf32, #tpu.memory_space<vmem>>, vector<16xf32>,
        %get3A_267 = arith.constant 1 : i32
        %get3A_268 = arith.index_cast %select_n3A_79 : i32 to index
        %get3A_269 = arith.index_cast %select_n3A_207 : i32 to index
        %get3A_270 = arith.index_cast %get3A_267 : i32 to index
        %get3A_271 = arith.index_cast %mul3A_225 : i32 to index
        %get3A_272 = tpu.vector_load %arg7[%get3A_268, %get3A_269, %get3A_270, %get3A_271] {strides = array<i32>} : memref<2x16x8x80xf32, #tpu.memory_space<vmem>>, vector<16xf32>,
        %get3A_273 = arith.constant 3 : i32
        %get3A_274 = arith.index_cast %select_n3A_79 : i32 to index
        %get3A_275 = arith.index_cast %select_n3A_207 : i32 to index
        %get3A_276 = arith.index_cast %get3A_273 : i32 to index
        %get3A_277 = arith.index_cast %mul3A_225 : i32 to index
        %get3A_278 = tpu.vector_load %arg7[%get3A_274, %get3A_275, %get3A_276, %get3A_277] {strides = array<i32>} : memref<2x16x8x80xf32, #tpu.memory_space<vmem>>, vector<16xf32>,
        %get3A_279 = arith.constant 5 : i32
        %get3A_280 = arith.index_cast %select_n3A_79 : i32 to index
        %get3A_281 = arith.index_cast %select_n3A_207 : i32 to index
        %get3A_282 = arith.index_cast %get3A_279 : i32 to index
        %get3A_283 = arith.index_cast %mul3A_225 : i32 to index
        %get3A_284 = tpu.vector_load %arg7[%get3A_280, %get3A_281, %get3A_282, %get3A_283] {strides = array<i32>} : memref<2x16x8x80xf32, #tpu.memory_space<vmem>>, vector<16xf32>,
        %get3A_285 = arith.constant 7 : i32
        %get3A_286 = arith.index_cast %select_n3A_79 : i32 to index
        %get3A_287 = arith.index_cast %select_n3A_207 : i32 to index
        %get3A_288 = arith.index_cast %get3A_285 : i32 to index
        %get3A_289 = arith.index_cast %mul3A_225 : i32 to index
        %get3A_290 = tpu.vector_load %arg7[%get3A_286, %get3A_287, %get3A_288, %get3A_289] {strides = array<i32>} : memref<2x16x8x80xf32, #tpu.memory_space<vmem>>, vector<16xf32>,
        %broadcast_in_dim3A = arith.constant 0.000000e+00 : f32
        %broadcast_in_dim3A_291 = vector.broadcast %broadcast_in_dim3A : f32 to vector<16xf32>
        %broadcast_in_dim3A_292 = arith.constant 0.000000e+00 : f32
        %broadcast_in_dim3A_293 = vector.broadcast %broadcast_in_dim3A_292 : f32 to vector<16xf32>
        %broadcast_in_dim3A_294 = arith.constant 0.000000e+00 : f32
        %broadcast_in_dim3A_295 = vector.broadcast %broadcast_in_dim3A_294 : f32 to vector<16xf32>
        %get3A_296 = arith.constant 0 : i32
        %get3A_297 = arith.index_cast %select_n3A_79 : i32 to index
        %get3A_298 = arith.index_cast %get3A_296 : i32 to index
        %get3A_299 = arith.index_cast %select_n3A_207 : i32 to index
        %get3A_300 = arith.index_cast %mul3A_225 : i32 to index
        %get3A_301 = tpu.vector_load %arg6[%get3A_297, %get3A_298, %get3A_299, %get3A_300] {strides = array<i32>} : memref<2x20x16x80xf32, #tpu.memory_space<vmem>>, vector<16xf32>,
        %get3A_302 = arith.constant 1 : i32
        %get3A_303 = arith.index_cast %select_n3A_79 : i32 to index
        %get3A_304 = arith.index_cast %get3A_302 : i32 to index
        %get3A_305 = arith.index_cast %select_n3A_207 : i32 to index
        %get3A_306 = arith.index_cast %mul3A_225 : i32 to index
        %get3A_307 = tpu.vector_load %arg6[%get3A_303, %get3A_304, %get3A_305, %get3A_306] {strides = array<i32>} : memref<2x20x16x80xf32, #tpu.memory_space<vmem>>, vector<16xf32>,
        %get3A_308 = arith.constant 2 : i32
        %get3A_309 = arith.index_cast %select_n3A_79 : i32 to index
        %get3A_310 = arith.index_cast %get3A_308 : i32 to index
        %get3A_311 = arith.index_cast %select_n3A_207 : i32 to index
        %get3A_312 = arith.index_cast %mul3A_225 : i32 to index
        %get3A_313 = tpu.vector_load %arg6[%get3A_309, %get3A_310, %get3A_311, %get3A_312] {strides = array<i32>} : memref<2x20x16x80xf32, #tpu.memory_space<vmem>>, vector<16xf32>,
        %get3A_314 = arith.constant 3 : i32
        %get3A_315 = arith.index_cast %select_n3A_79 : i32 to index
        %get3A_316 = arith.index_cast %get3A_314 : i32 to index
        %get3A_317 = arith.index_cast %select_n3A_207 : i32 to index
        %get3A_318 = arith.index_cast %mul3A_225 : i32 to index
        %get3A_319 = tpu.vector_load %arg6[%get3A_315, %get3A_316, %get3A_317, %get3A_318] {strides = array<i32>} : memref<2x20x16x80xf32, #tpu.memory_space<vmem>>, vector<16xf32>,
        %get3A_320 = arith.constant 4 : i32
        %get3A_321 = arith.index_cast %select_n3A_79 : i32 to index
        %get3A_322 = arith.index_cast %get3A_320 : i32 to index
        %get3A_323 = arith.index_cast %select_n3A_207 : i32 to index
        %get3A_324 = arith.index_cast %mul3A_225 : i32 to index
        %get3A_325 = tpu.vector_load %arg6[%get3A_321, %get3A_322, %get3A_323, %get3A_324] {strides = array<i32>} : memref<2x20x16x80xf32, #tpu.memory_space<vmem>>, vector<16xf32>,
        %neg3A = arith.constant 0.000000e+00 : f32
        %neg3A_326 = vector.broadcast %neg3A : f32 to vector<16xf32>
        %neg3A_327 = arith.subf %neg3A_326, %get3A_307 : vector<16xf32>
        %exp3A = math.exp %neg3A_327 : vector<16xf32>
        %add3A_328 = arith.constant 1.000000e+00 : f32
        %add3A_329 = vector.broadcast %add3A_328 : f32 to vector<16xf32>
        %add3A_330 = arith.addf %add3A_329, %exp3A : vector<16xf32>
        %div3A_331 = arith.constant 1.000000e+00 : f32
        %div3A_332 = vector.broadcast %div3A_331 : f32 to vector<16xf32>
        %div3A_333 = arith.divf %div3A_332, %add3A_330 : vector<16xf32>
        %neg3A_334 = arith.constant 0.000000e+00 : f32
        %neg3A_335 = vector.broadcast %neg3A_334 : f32 to vector<16xf32>
        %neg3A_336 = arith.subf %neg3A_335, %get3A_313 : vector<16xf32>
        %exp3A_337 = math.exp %neg3A_336 : vector<16xf32>
        %add3A_338 = arith.constant 1.000000e+00 : f32
        %add3A_339 = vector.broadcast %add3A_338 : f32 to vector<16xf32>
        %add3A_340 = arith.addf %add3A_339, %exp3A_337 : vector<16xf32>
        %div3A_341 = arith.constant 1.000000e+00 : f32
        %div3A_342 = vector.broadcast %div3A_341 : f32 to vector<16xf32>
        %div3A_343 = arith.divf %div3A_342, %add3A_340 : vector<16xf32>
        %abs3A = math.absf %get3A_319 : vector<16xf32>
        %neg3A_344 = arith.constant 0.000000e+00 : f32
        %neg3A_345 = vector.broadcast %neg3A_344 : f32 to vector<16xf32>
        %neg3A_346 = arith.subf %neg3A_345, %abs3A : vector<16xf32>
        %exp3A_347 = math.exp %neg3A_346 : vector<16xf32>
        %mul3A_348 = arith.constant -0.0683422312 : f32
        %mul3A_349 = vector.broadcast %mul3A_348 : f32 to vector<16xf32>
        %mul3A_350 = arith.mulf %mul3A_349, %exp3A_347 : vector<16xf32>
        %add3A_351 = arith.constant 0.245606884 : f32
        %add3A_352 = vector.broadcast %add3A_351 : f32 to vector<16xf32>
        %add3A_353 = arith.addf %mul3A_350, %add3A_352 : vector<16xf32>
        %mul3A_354 = arith.mulf %add3A_353, %exp3A_347 : vector<16xf32>
        %add3A_355 = arith.constant -0.484238118 : f32
        %add3A_356 = vector.broadcast %add3A_355 : f32 to vector<16xf32>
        %add3A_357 = arith.addf %mul3A_354, %add3A_356 : vector<16xf32>
        %max3A = arith.constant 0.000000e+00 : f32
        %max3A_358 = vector.broadcast %max3A : f32 to vector<16xf32>
        %max3A_359 = arith.maximumf %get3A_319, %max3A_358 : vector<16xf32>
        %mul3A_360 = arith.mulf %exp3A_347, %exp3A_347 : vector<16xf32>
        %mul3A_361 = arith.mulf %add3A_357, %mul3A_360 : vector<16xf32>
        %add3A_362 = arith.addf %mul3A_361, %exp3A_347 : vector<16xf32>
        %add3A_363 = arith.addf %max3A_359, %add3A_362 : vector<16xf32>
        %add3A_364 = arith.constant 9.99999974E-5 : f32
        %add3A_365 = vector.broadcast %add3A_364 : f32 to vector<16xf32>
        %add3A_366 = arith.addf %add3A_363, %add3A_365 : vector<16xf32>
        %abs3A_367 = math.absf %get3A_325 : vector<16xf32>
        %neg3A_368 = arith.constant 0.000000e+00 : f32
        %neg3A_369 = vector.broadcast %neg3A_368 : f32 to vector<16xf32>
        %neg3A_370 = arith.subf %neg3A_369, %abs3A_367 : vector<16xf32>
        %exp3A_371 = math.exp %neg3A_370 : vector<16xf32>
        %mul3A_372 = arith.constant -0.0683422312 : f32
        %mul3A_373 = vector.broadcast %mul3A_372 : f32 to vector<16xf32>
        %mul3A_374 = arith.mulf %mul3A_373, %exp3A_371 : vector<16xf32>
        %add3A_375 = arith.constant 0.245606884 : f32
        %add3A_376 = vector.broadcast %add3A_375 : f32 to vector<16xf32>
        %add3A_377 = arith.addf %mul3A_374, %add3A_376 : vector<16xf32>
        %mul3A_378 = arith.mulf %add3A_377, %exp3A_371 : vector<16xf32>
        %add3A_379 = arith.constant -0.484238118 : f32
        %add3A_380 = vector.broadcast %add3A_379 : f32 to vector<16xf32>
        %add3A_381 = arith.addf %mul3A_378, %add3A_380 : vector<16xf32>
        %max3A_382 = arith.constant 0.000000e+00 : f32
        %max3A_383 = vector.broadcast %max3A_382 : f32 to vector<16xf32>
        %max3A_384 = arith.maximumf %get3A_325, %max3A_383 : vector<16xf32>
        %mul3A_385 = arith.mulf %exp3A_371, %exp3A_371 : vector<16xf32>
        %mul3A_386 = arith.mulf %add3A_381, %mul3A_385 : vector<16xf32>
        %add3A_387 = arith.addf %mul3A_386, %exp3A_371 : vector<16xf32>
        %add3A_388 = arith.addf %max3A_384, %add3A_387 : vector<16xf32>
        %add3A_389 = arith.constant 9.99999974E-5 : f32
        %add3A_390 = vector.broadcast %add3A_389 : f32 to vector<16xf32>
        %add3A_391 = arith.addf %add3A_388, %add3A_390 : vector<16xf32>
        %sub3A_392 = arith.subf %div3A_333, %get3A_248 : vector<16xf32>
        %sub3A_393 = arith.subf %div3A_343, %get3A_272 : vector<16xf32>
        %mul3A_394 = arith.mulf %sub3A_392, %sub3A_392 : vector<16xf32>
        %mul3A_395 = arith.mulf %sub3A_393, %sub3A_393 : vector<16xf32>
        %add3A_396 = arith.addf %mul3A_394, %mul3A_395 : vector<16xf32>
        %jit3A_397 = arith.constant 1.000000e+09 : f32
        %broadcast_in_dim3A_398 = vector.broadcast %jit3A_397 : f32 to vector<16xf32>
        %select_n3A_399 = arith.select %gt3A_233, %add3A_396, %broadcast_in_dim3A_398 : vector<16xi1>, vector<16xf32>
        %sub3A_400 = arith.subf %div3A_333, %get3A_254 : vector<16xf32>
        %sub3A_401 = arith.subf %div3A_343, %get3A_278 : vector<16xf32>
        %mul3A_402 = arith.mulf %sub3A_400, %sub3A_400 : vector<16xf32>
        %mul3A_403 = arith.mulf %sub3A_401, %sub3A_401 : vector<16xf32>
        %add3A_404 = arith.addf %mul3A_402, %mul3A_403 : vector<16xf32>
        %jit3A_405 = arith.constant 1.000000e+09 : f32
        %broadcast_in_dim3A_406 = vector.broadcast %jit3A_405 : f32 to vector<16xf32>
        %select_n3A_407 = arith.select %gt3A_236, %add3A_404, %broadcast_in_dim3A_406 : vector<16xi1>, vector<16xf32>
        %lt3A_408 = arith.cmpf olt, %select_n3A_407, %select_n3A_399 : vector<16xf32>
        %select_n3A_409 = arith.select %lt3A_408, %select_n3A_407, %select_n3A_399 : vector<16xi1>, vector<16xf32>
        %select_n3A_410 = arith.select %lt3A_408, %get3A_254, %get3A_248 : vector<16xi1>, vector<16xf32>
        %select_n3A_411 = arith.select %lt3A_408, %get3A_278, %get3A_272 : vector<16xi1>, vector<16xf32>
        %sub3A_412 = arith.subf %div3A_333, %get3A_260 : vector<16xf32>
        %sub3A_413 = arith.subf %div3A_343, %get3A_284 : vector<16xf32>
        %mul3A_414 = arith.mulf %sub3A_412, %sub3A_412 : vector<16xf32>
        %mul3A_415 = arith.mulf %sub3A_413, %sub3A_413 : vector<16xf32>
        %add3A_416 = arith.addf %mul3A_414, %mul3A_415 : vector<16xf32>
        %jit3A_417 = arith.constant 1.000000e+09 : f32
        %broadcast_in_dim3A_418 = vector.broadcast %jit3A_417 : f32 to vector<16xf32>
        %select_n3A_419 = arith.select %gt3A_239, %add3A_416, %broadcast_in_dim3A_418 : vector<16xi1>, vector<16xf32>
        %lt3A_420 = arith.cmpf olt, %select_n3A_419, %select_n3A_409 : vector<16xf32>
        %select_n3A_421 = arith.select %lt3A_420, %select_n3A_419, %select_n3A_409 : vector<16xi1>, vector<16xf32>
        %select_n3A_422 = arith.select %lt3A_420, %get3A_260, %select_n3A_410 : vector<16xi1>, vector<16xf32>
        %select_n3A_423 = arith.select %lt3A_420, %get3A_284, %select_n3A_411 : vector<16xi1>, vector<16xf32>
        %sub3A_424 = arith.subf %div3A_333, %get3A_266 : vector<16xf32>
        %sub3A_425 = arith.subf %div3A_343, %get3A_290 : vector<16xf32>
        %mul3A_426 = arith.mulf %sub3A_424, %sub3A_424 : vector<16xf32>
        %mul3A_427 = arith.mulf %sub3A_425, %sub3A_425 : vector<16xf32>
        %add3A_428 = arith.addf %mul3A_426, %mul3A_427 : vector<16xf32>
        %jit3A_429 = arith.constant 1.000000e+09 : f32
        %broadcast_in_dim3A_430 = vector.broadcast %jit3A_429 : f32 to vector<16xf32>
        %select_n3A_431 = arith.select %gt3A_242, %add3A_428, %broadcast_in_dim3A_430 : vector<16xi1>, vector<16xf32>
        %lt3A_432 = arith.cmpf olt, %select_n3A_431, %select_n3A_421 : vector<16xf32>
        %select_n3A_433 = arith.select %lt3A_432, %select_n3A_431, %select_n3A_421 : vector<16xi1>, vector<16xf32>
        %select_n3A_434 = arith.select %lt3A_432, %get3A_266, %select_n3A_422 : vector<16xi1>, vector<16xf32>
        %select_n3A_435 = arith.select %lt3A_432, %get3A_290, %select_n3A_423 : vector<16xi1>, vector<16xf32>
        %sub3A_436 = arith.subf %select_n3A_434, %div3A_333 : vector<16xf32>
        %div3A_437 = arith.divf %sub3A_436, %add3A_366 : vector<16xf32>
        %sub3A_438 = arith.subf %select_n3A_435, %div3A_343 : vector<16xf32>
        %div3A_439 = arith.divf %sub3A_438, %add3A_391 : vector<16xf32>
        %abs3A_440 = math.absf %get3A_301 : vector<16xf32>
        %neg3A_441 = arith.constant 0.000000e+00 : f32
        %neg3A_442 = vector.broadcast %neg3A_441 : f32 to vector<16xf32>
        %neg3A_443 = arith.subf %neg3A_442, %abs3A_440 : vector<16xf32>
        %exp3A_444 = math.exp %neg3A_443 : vector<16xf32>
        %mul3A_445 = arith.constant -0.0683422312 : f32
        %mul3A_446 = vector.broadcast %mul3A_445 : f32 to vector<16xf32>
        %mul3A_447 = arith.mulf %mul3A_446, %exp3A_444 : vector<16xf32>
        %add3A_448 = arith.constant 0.245606884 : f32
        %add3A_449 = vector.broadcast %add3A_448 : f32 to vector<16xf32>
        %add3A_450 = arith.addf %mul3A_447, %add3A_449 : vector<16xf32>
        %mul3A_451 = arith.mulf %add3A_450, %exp3A_444 : vector<16xf32>
        %add3A_452 = arith.constant -0.484238118 : f32
        %add3A_453 = vector.broadcast %add3A_452 : f32 to vector<16xf32>
        %add3A_454 = arith.addf %mul3A_451, %add3A_453 : vector<16xf32>
        %max3A_455 = arith.constant 0.000000e+00 : f32
        %max3A_456 = vector.broadcast %max3A_455 : f32 to vector<16xf32>
        %max3A_457 = arith.maximumf %get3A_301, %max3A_456 : vector<16xf32>
        %mul3A_458 = arith.mulf %exp3A_444, %exp3A_444 : vector<16xf32>
        %mul3A_459 = arith.mulf %add3A_454, %mul3A_458 : vector<16xf32>
        %add3A_460 = arith.addf %mul3A_459, %exp3A_444 : vector<16xf32>
        %add3A_461 = arith.addf %max3A_457, %add3A_460 : vector<16xf32>
        %add3A_462 = arith.addf %broadcast_in_dim3A_291, %add3A_461 : vector<16xf32>
        %add3A_463 = arith.addf %broadcast_in_dim3A_293, %get3A_301 : vector<16xf32>
        %mul3A_464 = arith.mulf %div3A_437, %div3A_437 : vector<16xf32>
        %mul3A_465 = arith.mulf %div3A_439, %div3A_439 : vector<16xf32>
        %add3A_466 = arith.addf %mul3A_464, %mul3A_465 : vector<16xf32>
        %mul3A_467 = arith.constant 5.000000e-01 : f32
        %mul3A_468 = vector.broadcast %mul3A_467 : f32 to vector<16xf32>
        %mul3A_469 = arith.mulf %mul3A_468, %add3A_466 : vector<16xf32>
        %mul3A_470 = arith.mulf %add3A_366, %add3A_391 : vector<16xf32>
        %bitcast_convert_type3A = tpu.bitcast %mul3A_470 : vector<16xf32> -> vector<16xi32>
        %shift_right_arithmetic3A = arith.constant 23 : i32
        %shift_right_arithmetic3A_471 = vector.broadcast %shift_right_arithmetic3A : i32 to vector<16xi32>
        %shift_right_arithmetic3A_472 = arith.shrsi %bitcast_convert_type3A, %shift_right_arithmetic3A_471 : vector<16xi32>
        %sub3A_473 = arith.constant 127 : i32
        %sub3A_474 = vector.broadcast %sub3A_473 : i32 to vector<16xi32>
        %sub3A_475 = arith.subi %shift_right_arithmetic3A_472, %sub3A_474 : vector<16xi32>
        %and3A_476 = arith.constant 8388607 : i32
        %and3A_477 = vector.broadcast %and3A_476 : i32 to vector<16xi32>
        %and3A_478 = arith.andi %bitcast_convert_type3A, %and3A_477 : vector<16xi32>
        %or3A = arith.constant 1065353216 : i32
        %or3A_479 = vector.broadcast %or3A : i32 to vector<16xi32>
        %or3A_480 = arith.ori %and3A_478, %or3A_479 : vector<16xi32>
        %bitcast_convert_type3A_481 = tpu.bitcast %or3A_480 : vector<16xi32> -> vector<16xf32>
        %sub3A_482 = arith.constant 1.000000e+00 : f32
        %sub3A_483 = vector.broadcast %sub3A_482 : f32 to vector<16xf32>
        %sub3A_484 = arith.subf %bitcast_convert_type3A_481, %sub3A_483 : vector<16xf32>
        %mul3A_485 = arith.constant -0.0683422312 : f32
        %mul3A_486 = vector.broadcast %mul3A_485 : f32 to vector<16xf32>
        %mul3A_487 = arith.mulf %mul3A_486, %sub3A_484 : vector<16xf32>
        %add3A_488 = arith.constant 0.245606884 : f32
        %add3A_489 = vector.broadcast %add3A_488 : f32 to vector<16xf32>
        %add3A_490 = arith.addf %mul3A_487, %add3A_489 : vector<16xf32>
        %mul3A_491 = arith.mulf %add3A_490, %sub3A_484 : vector<16xf32>
        %add3A_492 = arith.constant -0.484238118 : f32
        %add3A_493 = vector.broadcast %add3A_492 : f32 to vector<16xf32>
        %add3A_494 = arith.addf %mul3A_491, %add3A_493 : vector<16xf32>
        %convert_element_type3A_495 = arith.sitofp %sub3A_475 : vector<16xi32> to vector<16xf32>
        %mul3A_496 = arith.constant 0.693147182 : f32
        %mul3A_497 = vector.broadcast %mul3A_496 : f32 to vector<16xf32>
        %mul3A_498 = arith.mulf %convert_element_type3A_495, %mul3A_497 : vector<16xf32>
        %mul3A_499 = arith.mulf %sub3A_484, %sub3A_484 : vector<16xf32>
        %mul3A_500 = arith.mulf %add3A_494, %mul3A_499 : vector<16xf32>
        %add3A_501 = arith.addf %mul3A_500, %sub3A_484 : vector<16xf32>
        %add3A_502 = arith.addf %mul3A_498, %add3A_501 : vector<16xf32>
        %add3A_503 = arith.addf %mul3A_469, %add3A_502 : vector<16xf32>
        %add3A_504 = arith.constant 1.83787704 : f32
        %add3A_505 = vector.broadcast %add3A_504 : f32 to vector<16xf32>
        %add3A_506 = arith.addf %add3A_503, %add3A_505 : vector<16xf32>
        %add3A_507 = arith.addf %broadcast_in_dim3A_295, %add3A_506 : vector<16xf32>
        %get3A_508 = arith.constant 5 : i32
        %get3A_509 = arith.index_cast %select_n3A_79 : i32 to index
        %get3A_510 = arith.index_cast %get3A_508 : i32 to index
        %get3A_511 = arith.index_cast %select_n3A_207 : i32 to index
        %get3A_512 = arith.index_cast %mul3A_225 : i32 to index
        %get3A_513 = tpu.vector_load %arg6[%get3A_509, %get3A_510, %get3A_511, %get3A_512] {strides = array<i32>} : memref<2x20x16x80xf32, #tpu.memory_space<vmem>>, vector<16xf32>,
        %get3A_514 = arith.constant 6 : i32
        %get3A_515 = arith.index_cast %select_n3A_79 : i32 to index
        %get3A_516 = arith.index_cast %get3A_514 : i32 to index
        %get3A_517 = arith.index_cast %select_n3A_207 : i32 to index
        %get3A_518 = arith.index_cast %mul3A_225 : i32 to index
        %get3A_519 = tpu.vector_load %arg6[%get3A_515, %get3A_516, %get3A_517, %get3A_518] {strides = array<i32>} : memref<2x20x16x80xf32, #tpu.memory_space<vmem>>, vector<16xf32>,
        %get3A_520 = arith.constant 7 : i32
        %get3A_521 = arith.index_cast %select_n3A_79 : i32 to index
        %get3A_522 = arith.index_cast %get3A_520 : i32 to index
        %get3A_523 = arith.index_cast %select_n3A_207 : i32 to index
        %get3A_524 = arith.index_cast %mul3A_225 : i32 to index
        %get3A_525 = tpu.vector_load %arg6[%get3A_521, %get3A_522, %get3A_523, %get3A_524] {strides = array<i32>} : memref<2x20x16x80xf32, #tpu.memory_space<vmem>>, vector<16xf32>,
        %get3A_526 = arith.constant 8 : i32
        %get3A_527 = arith.index_cast %select_n3A_79 : i32 to index
        %get3A_528 = arith.index_cast %get3A_526 : i32 to index
        %get3A_529 = arith.index_cast %select_n3A_207 : i32 to index
        %get3A_530 = arith.index_cast %mul3A_225 : i32 to index
        %get3A_531 = tpu.vector_load %arg6[%get3A_527, %get3A_528, %get3A_529, %get3A_530] {strides = array<i32>} : memref<2x20x16x80xf32, #tpu.memory_space<vmem>>, vector<16xf32>,
        %get3A_532 = arith.constant 9 : i32
        %get3A_533 = arith.index_cast %select_n3A_79 : i32 to index
        %get3A_534 = arith.index_cast %get3A_532 : i32 to index
        %get3A_535 = arith.index_cast %select_n3A_207 : i32 to index
        %get3A_536 = arith.index_cast %mul3A_225 : i32 to index
        %get3A_537 = tpu.vector_load %arg6[%get3A_533, %get3A_534, %get3A_535, %get3A_536] {strides = array<i32>} : memref<2x20x16x80xf32, #tpu.memory_space<vmem>>, vector<16xf32>,
        %neg3A_538 = arith.constant 0.000000e+00 : f32
        %neg3A_539 = vector.broadcast %neg3A_538 : f32 to vector<16xf32>
        %neg3A_540 = arith.subf %neg3A_539, %get3A_519 : vector<16xf32>
        %exp3A_541 = math.exp %neg3A_540 : vector<16xf32>
        %add3A_542 = arith.constant 1.000000e+00 : f32
        %add3A_543 = vector.broadcast %add3A_542 : f32 to vector<16xf32>
        %add3A_544 = arith.addf %add3A_543, %exp3A_541 : vector<16xf32>
        %div3A_545 = arith.constant 1.000000e+00 : f32
        %div3A_546 = vector.broadcast %div3A_545 : f32 to vector<16xf32>
        %div3A_547 = arith.divf %div3A_546, %add3A_544 : vector<16xf32>
        %neg3A_548 = arith.constant 0.000000e+00 : f32
        %neg3A_549 = vector.broadcast %neg3A_548 : f32 to vector<16xf32>
        %neg3A_550 = arith.subf %neg3A_549, %get3A_525 : vector<16xf32>
        %exp3A_551 = math.exp %neg3A_550 : vector<16xf32>
        %add3A_552 = arith.constant 1.000000e+00 : f32
        %add3A_553 = vector.broadcast %add3A_552 : f32 to vector<16xf32>
        %add3A_554 = arith.addf %add3A_553, %exp3A_551 : vector<16xf32>
        %div3A_555 = arith.constant 1.000000e+00 : f32
        %div3A_556 = vector.broadcast %div3A_555 : f32 to vector<16xf32>
        %div3A_557 = arith.divf %div3A_556, %add3A_554 : vector<16xf32>
        %abs3A_558 = math.absf %get3A_531 : vector<16xf32>
        %neg3A_559 = arith.constant 0.000000e+00 : f32
        %neg3A_560 = vector.broadcast %neg3A_559 : f32 to vector<16xf32>
        %neg3A_561 = arith.subf %neg3A_560, %abs3A_558 : vector<16xf32>
        %exp3A_562 = math.exp %neg3A_561 : vector<16xf32>
        %mul3A_563 = arith.constant -0.0683422312 : f32
        %mul3A_564 = vector.broadcast %mul3A_563 : f32 to vector<16xf32>
        %mul3A_565 = arith.mulf %mul3A_564, %exp3A_562 : vector<16xf32>
        %add3A_566 = arith.constant 0.245606884 : f32
        %add3A_567 = vector.broadcast %add3A_566 : f32 to vector<16xf32>
        %add3A_568 = arith.addf %mul3A_565, %add3A_567 : vector<16xf32>
        %mul3A_569 = arith.mulf %add3A_568, %exp3A_562 : vector<16xf32>
        %add3A_570 = arith.constant -0.484238118 : f32
        %add3A_571 = vector.broadcast %add3A_570 : f32 to vector<16xf32>
        %add3A_572 = arith.addf %mul3A_569, %add3A_571 : vector<16xf32>
        %max3A_573 = arith.constant 0.000000e+00 : f32
        %max3A_574 = vector.broadcast %max3A_573 : f32 to vector<16xf32>
        %max3A_575 = arith.maximumf %get3A_531, %max3A_574 : vector<16xf32>
        %mul3A_576 = arith.mulf %exp3A_562, %exp3A_562 : vector<16xf32>
        %mul3A_577 = arith.mulf %add3A_572, %mul3A_576 : vector<16xf32>
        %add3A_578 = arith.addf %mul3A_577, %exp3A_562 : vector<16xf32>
        %add3A_579 = arith.addf %max3A_575, %add3A_578 : vector<16xf32>
        %add3A_580 = arith.constant 9.99999974E-5 : f32
        %add3A_581 = vector.broadcast %add3A_580 : f32 to vector<16xf32>
        %add3A_582 = arith.addf %add3A_579, %add3A_581 : vector<16xf32>
        %abs3A_583 = math.absf %get3A_537 : vector<16xf32>
        %neg3A_584 = arith.constant 0.000000e+00 : f32
        %neg3A_585 = vector.broadcast %neg3A_584 : f32 to vector<16xf32>
        %neg3A_586 = arith.subf %neg3A_585, %abs3A_583 : vector<16xf32>
        %exp3A_587 = math.exp %neg3A_586 : vector<16xf32>
        %mul3A_588 = arith.constant -0.0683422312 : f32
        %mul3A_589 = vector.broadcast %mul3A_588 : f32 to vector<16xf32>
        %mul3A_590 = arith.mulf %mul3A_589, %exp3A_587 : vector<16xf32>
        %add3A_591 = arith.constant 0.245606884 : f32
        %add3A_592 = vector.broadcast %add3A_591 : f32 to vector<16xf32>
        %add3A_593 = arith.addf %mul3A_590, %add3A_592 : vector<16xf32>
        %mul3A_594 = arith.mulf %add3A_593, %exp3A_587 : vector<16xf32>
        %add3A_595 = arith.constant -0.484238118 : f32
        %add3A_596 = vector.broadcast %add3A_595 : f32 to vector<16xf32>
        %add3A_597 = arith.addf %mul3A_594, %add3A_596 : vector<16xf32>
        %max3A_598 = arith.constant 0.000000e+00 : f32
        %max3A_599 = vector.broadcast %max3A_598 : f32 to vector<16xf32>
        %max3A_600 = arith.maximumf %get3A_537, %max3A_599 : vector<16xf32>
        %mul3A_601 = arith.mulf %exp3A_587, %exp3A_587 : vector<16xf32>
        %mul3A_602 = arith.mulf %add3A_597, %mul3A_601 : vector<16xf32>
        %add3A_603 = arith.addf %mul3A_602, %exp3A_587 : vector<16xf32>
        %add3A_604 = arith.addf %max3A_600, %add3A_603 : vector<16xf32>
        %add3A_605 = arith.constant 9.99999974E-5 : f32
        %add3A_606 = vector.broadcast %add3A_605 : f32 to vector<16xf32>
        %add3A_607 = arith.addf %add3A_604, %add3A_606 : vector<16xf32>
        %sub3A_608 = arith.subf %div3A_547, %get3A_248 : vector<16xf32>
        %sub3A_609 = arith.subf %div3A_557, %get3A_272 : vector<16xf32>
        %mul3A_610 = arith.mulf %sub3A_608, %sub3A_608 : vector<16xf32>
        %mul3A_611 = arith.mulf %sub3A_609, %sub3A_609 : vector<16xf32>
        %add3A_612 = arith.addf %mul3A_610, %mul3A_611 : vector<16xf32>
        %jit3A_613 = arith.constant 1.000000e+09 : f32
        %broadcast_in_dim3A_614 = vector.broadcast %jit3A_613 : f32 to vector<16xf32>
        %select_n3A_615 = arith.select %gt3A_233, %add3A_612, %broadcast_in_dim3A_614 : vector<16xi1>, vector<16xf32>
        %sub3A_616 = arith.subf %div3A_547, %get3A_254 : vector<16xf32>
        %sub3A_617 = arith.subf %div3A_557, %get3A_278 : vector<16xf32>
        %mul3A_618 = arith.mulf %sub3A_616, %sub3A_616 : vector<16xf32>
        %mul3A_619 = arith.mulf %sub3A_617, %sub3A_617 : vector<16xf32>
        %add3A_620 = arith.addf %mul3A_618, %mul3A_619 : vector<16xf32>
        %jit3A_621 = arith.constant 1.000000e+09 : f32
        %broadcast_in_dim3A_622 = vector.broadcast %jit3A_621 : f32 to vector<16xf32>
        %select_n3A_623 = arith.select %gt3A_236, %add3A_620, %broadcast_in_dim3A_622 : vector<16xi1>, vector<16xf32>
        %lt3A_624 = arith.cmpf olt, %select_n3A_623, %select_n3A_615 : vector<16xf32>
        %select_n3A_625 = arith.select %lt3A_624, %select_n3A_623, %select_n3A_615 : vector<16xi1>, vector<16xf32>
        %select_n3A_626 = arith.select %lt3A_624, %get3A_254, %get3A_248 : vector<16xi1>, vector<16xf32>
        %select_n3A_627 = arith.select %lt3A_624, %get3A_278, %get3A_272 : vector<16xi1>, vector<16xf32>
        %sub3A_628 = arith.subf %div3A_547, %get3A_260 : vector<16xf32>
        %sub3A_629 = arith.subf %div3A_557, %get3A_284 : vector<16xf32>
        %mul3A_630 = arith.mulf %sub3A_628, %sub3A_628 : vector<16xf32>
        %mul3A_631 = arith.mulf %sub3A_629, %sub3A_629 : vector<16xf32>
        %add3A_632 = arith.addf %mul3A_630, %mul3A_631 : vector<16xf32>
        %jit3A_633 = arith.constant 1.000000e+09 : f32
        %broadcast_in_dim3A_634 = vector.broadcast %jit3A_633 : f32 to vector<16xf32>
        %select_n3A_635 = arith.select %gt3A_239, %add3A_632, %broadcast_in_dim3A_634 : vector<16xi1>, vector<16xf32>
        %lt3A_636 = arith.cmpf olt, %select_n3A_635, %select_n3A_625 : vector<16xf32>
        %select_n3A_637 = arith.select %lt3A_636, %select_n3A_635, %select_n3A_625 : vector<16xi1>, vector<16xf32>
        %select_n3A_638 = arith.select %lt3A_636, %get3A_260, %select_n3A_626 : vector<16xi1>, vector<16xf32>
        %select_n3A_639 = arith.select %lt3A_636, %get3A_284, %select_n3A_627 : vector<16xi1>, vector<16xf32>
        %sub3A_640 = arith.subf %div3A_547, %get3A_266 : vector<16xf32>
        %sub3A_641 = arith.subf %div3A_557, %get3A_290 : vector<16xf32>
        %mul3A_642 = arith.mulf %sub3A_640, %sub3A_640 : vector<16xf32>
        %mul3A_643 = arith.mulf %sub3A_641, %sub3A_641 : vector<16xf32>
        %add3A_644 = arith.addf %mul3A_642, %mul3A_643 : vector<16xf32>
        %jit3A_645 = arith.constant 1.000000e+09 : f32
        %broadcast_in_dim3A_646 = vector.broadcast %jit3A_645 : f32 to vector<16xf32>
        %select_n3A_647 = arith.select %gt3A_242, %add3A_644, %broadcast_in_dim3A_646 : vector<16xi1>, vector<16xf32>
        %lt3A_648 = arith.cmpf olt, %select_n3A_647, %select_n3A_637 : vector<16xf32>
        %select_n3A_649 = arith.select %lt3A_648, %select_n3A_647, %select_n3A_637 : vector<16xi1>, vector<16xf32>
        %select_n3A_650 = arith.select %lt3A_648, %get3A_266, %select_n3A_638 : vector<16xi1>, vector<16xf32>
        %select_n3A_651 = arith.select %lt3A_648, %get3A_290, %select_n3A_639 : vector<16xi1>, vector<16xf32>
        %sub3A_652 = arith.subf %select_n3A_650, %div3A_547 : vector<16xf32>
        %div3A_653 = arith.divf %sub3A_652, %add3A_582 : vector<16xf32>
        %sub3A_654 = arith.subf %select_n3A_651, %div3A_557 : vector<16xf32>
        %div3A_655 = arith.divf %sub3A_654, %add3A_607 : vector<16xf32>
        %abs3A_656 = math.absf %get3A_513 : vector<16xf32>
        %neg3A_657 = arith.constant 0.000000e+00 : f32
        %neg3A_658 = vector.broadcast %neg3A_657 : f32 to vector<16xf32>
        %neg3A_659 = arith.subf %neg3A_658, %abs3A_656 : vector<16xf32>
        %exp3A_660 = math.exp %neg3A_659 : vector<16xf32>
        %mul3A_661 = arith.constant -0.0683422312 : f32
        %mul3A_662 = vector.broadcast %mul3A_661 : f32 to vector<16xf32>
        %mul3A_663 = arith.mulf %mul3A_662, %exp3A_660 : vector<16xf32>
        %add3A_664 = arith.constant 0.245606884 : f32
        %add3A_665 = vector.broadcast %add3A_664 : f32 to vector<16xf32>
        %add3A_666 = arith.addf %mul3A_663, %add3A_665 : vector<16xf32>
        %mul3A_667 = arith.mulf %add3A_666, %exp3A_660 : vector<16xf32>
        %add3A_668 = arith.constant -0.484238118 : f32
        %add3A_669 = vector.broadcast %add3A_668 : f32 to vector<16xf32>
        %add3A_670 = arith.addf %mul3A_667, %add3A_669 : vector<16xf32>
        %max3A_671 = arith.constant 0.000000e+00 : f32
        %max3A_672 = vector.broadcast %max3A_671 : f32 to vector<16xf32>
        %max3A_673 = arith.maximumf %get3A_513, %max3A_672 : vector<16xf32>
        %mul3A_674 = arith.mulf %exp3A_660, %exp3A_660 : vector<16xf32>
        %mul3A_675 = arith.mulf %add3A_670, %mul3A_674 : vector<16xf32>
        %add3A_676 = arith.addf %mul3A_675, %exp3A_660 : vector<16xf32>
        %add3A_677 = arith.addf %max3A_673, %add3A_676 : vector<16xf32>
        %add3A_678 = arith.addf %add3A_462, %add3A_677 : vector<16xf32>
        %add3A_679 = arith.addf %add3A_463, %get3A_513 : vector<16xf32>
        %mul3A_680 = arith.mulf %div3A_653, %div3A_653 : vector<16xf32>
        %mul3A_681 = arith.mulf %div3A_655, %div3A_655 : vector<16xf32>
        %add3A_682 = arith.addf %mul3A_680, %mul3A_681 : vector<16xf32>
        %mul3A_683 = arith.constant 5.000000e-01 : f32
        %mul3A_684 = vector.broadcast %mul3A_683 : f32 to vector<16xf32>
        %mul3A_685 = arith.mulf %mul3A_684, %add3A_682 : vector<16xf32>
        %mul3A_686 = arith.mulf %add3A_582, %add3A_607 : vector<16xf32>
        %bitcast_convert_type3A_687 = tpu.bitcast %mul3A_686 : vector<16xf32> -> vector<16xi32>
        %shift_right_arithmetic3A_688 = arith.constant 23 : i32
        %shift_right_arithmetic3A_689 = vector.broadcast %shift_right_arithmetic3A_688 : i32 to vector<16xi32>
        %shift_right_arithmetic3A_690 = arith.shrsi %bitcast_convert_type3A_687, %shift_right_arithmetic3A_689 : vector<16xi32>
        %sub3A_691 = arith.constant 127 : i32
        %sub3A_692 = vector.broadcast %sub3A_691 : i32 to vector<16xi32>
        %sub3A_693 = arith.subi %shift_right_arithmetic3A_690, %sub3A_692 : vector<16xi32>
        %and3A_694 = arith.constant 8388607 : i32
        %and3A_695 = vector.broadcast %and3A_694 : i32 to vector<16xi32>
        %and3A_696 = arith.andi %bitcast_convert_type3A_687, %and3A_695 : vector<16xi32>
        %or3A_697 = arith.constant 1065353216 : i32
        %or3A_698 = vector.broadcast %or3A_697 : i32 to vector<16xi32>
        %or3A_699 = arith.ori %and3A_696, %or3A_698 : vector<16xi32>
        %bitcast_convert_type3A_700 = tpu.bitcast %or3A_699 : vector<16xi32> -> vector<16xf32>
        %sub3A_701 = arith.constant 1.000000e+00 : f32
        %sub3A_702 = vector.broadcast %sub3A_701 : f32 to vector<16xf32>
        %sub3A_703 = arith.subf %bitcast_convert_type3A_700, %sub3A_702 : vector<16xf32>
        %mul3A_704 = arith.constant -0.0683422312 : f32
        %mul3A_705 = vector.broadcast %mul3A_704 : f32 to vector<16xf32>
        %mul3A_706 = arith.mulf %mul3A_705, %sub3A_703 : vector<16xf32>
        %add3A_707 = arith.constant 0.245606884 : f32
        %add3A_708 = vector.broadcast %add3A_707 : f32 to vector<16xf32>
        %add3A_709 = arith.addf %mul3A_706, %add3A_708 : vector<16xf32>
        %mul3A_710 = arith.mulf %add3A_709, %sub3A_703 : vector<16xf32>
        %add3A_711 = arith.constant -0.484238118 : f32
        %add3A_712 = vector.broadcast %add3A_711 : f32 to vector<16xf32>
        %add3A_713 = arith.addf %mul3A_710, %add3A_712 : vector<16xf32>
        %convert_element_type3A_714 = arith.sitofp %sub3A_693 : vector<16xi32> to vector<16xf32>
        %mul3A_715 = arith.constant 0.693147182 : f32
        %mul3A_716 = vector.broadcast %mul3A_715 : f32 to vector<16xf32>
        %mul3A_717 = arith.mulf %convert_element_type3A_714, %mul3A_716 : vector<16xf32>
        %mul3A_718 = arith.mulf %sub3A_703, %sub3A_703 : vector<16xf32>
        %mul3A_719 = arith.mulf %add3A_713, %mul3A_718 : vector<16xf32>
        %add3A_720 = arith.addf %mul3A_719, %sub3A_703 : vector<16xf32>
        %add3A_721 = arith.addf %mul3A_717, %add3A_720 : vector<16xf32>
        %add3A_722 = arith.addf %mul3A_685, %add3A_721 : vector<16xf32>
        %add3A_723 = arith.constant 1.83787704 : f32
        %add3A_724 = vector.broadcast %add3A_723 : f32 to vector<16xf32>
        %add3A_725 = arith.addf %add3A_722, %add3A_724 : vector<16xf32>
        %add3A_726 = arith.addf %add3A_507, %add3A_725 : vector<16xf32>
        %get3A_727 = arith.constant 10 : i32
        %get3A_728 = arith.index_cast %select_n3A_79 : i32 to index
        %get3A_729 = arith.index_cast %get3A_727 : i32 to index
        %get3A_730 = arith.index_cast %select_n3A_207 : i32 to index
        %get3A_731 = arith.index_cast %mul3A_225 : i32 to index
        %get3A_732 = tpu.vector_load %arg6[%get3A_728, %get3A_729, %get3A_730, %get3A_731] {strides = array<i32>} : memref<2x20x16x80xf32, #tpu.memory_space<vmem>>, vector<16xf32>,
        %get3A_733 = arith.constant 11 : i32
        %get3A_734 = arith.index_cast %select_n3A_79 : i32 to index
        %get3A_735 = arith.index_cast %get3A_733 : i32 to index
        %get3A_736 = arith.index_cast %select_n3A_207 : i32 to index
        %get3A_737 = arith.index_cast %mul3A_225 : i32 to index
        %get3A_738 = tpu.vector_load %arg6[%get3A_734, %get3A_735, %get3A_736, %get3A_737] {strides = array<i32>} : memref<2x20x16x80xf32, #tpu.memory_space<vmem>>, vector<16xf32>,
        %get3A_739 = arith.constant 12 : i32
        %get3A_740 = arith.index_cast %select_n3A_79 : i32 to index
        %get3A_741 = arith.index_cast %get3A_739 : i32 to index
        %get3A_742 = arith.index_cast %select_n3A_207 : i32 to index
        %get3A_743 = arith.index_cast %mul3A_225 : i32 to index
        %get3A_744 = tpu.vector_load %arg6[%get3A_740, %get3A_741, %get3A_742, %get3A_743] {strides = array<i32>} : memref<2x20x16x80xf32, #tpu.memory_space<vmem>>, vector<16xf32>,
        %get3A_745 = arith.constant 13 : i32
        %get3A_746 = arith.index_cast %select_n3A_79 : i32 to index
        %get3A_747 = arith.index_cast %get3A_745 : i32 to index
        %get3A_748 = arith.index_cast %select_n3A_207 : i32 to index
        %get3A_749 = arith.index_cast %mul3A_225 : i32 to index
        %get3A_750 = tpu.vector_load %arg6[%get3A_746, %get3A_747, %get3A_748, %get3A_749] {strides = array<i32>} : memref<2x20x16x80xf32, #tpu.memory_space<vmem>>, vector<16xf32>,
        %get3A_751 = arith.constant 14 : i32
        %get3A_752 = arith.index_cast %select_n3A_79 : i32 to index
        %get3A_753 = arith.index_cast %get3A_751 : i32 to index
        %get3A_754 = arith.index_cast %select_n3A_207 : i32 to index
        %get3A_755 = arith.index_cast %mul3A_225 : i32 to index
        %get3A_756 = tpu.vector_load %arg6[%get3A_752, %get3A_753, %get3A_754, %get3A_755] {strides = array<i32>} : memref<2x20x16x80xf32, #tpu.memory_space<vmem>>, vector<16xf32>,
        %neg3A_757 = arith.constant 0.000000e+00 : f32
        %neg3A_758 = vector.broadcast %neg3A_757 : f32 to vector<16xf32>
        %neg3A_759 = arith.subf %neg3A_758, %get3A_738 : vector<16xf32>
        %exp3A_760 = math.exp %neg3A_759 : vector<16xf32>
        %add3A_761 = arith.constant 1.000000e+00 : f32
        %add3A_762 = vector.broadcast %add3A_761 : f32 to vector<16xf32>
        %add3A_763 = arith.addf %add3A_762, %exp3A_760 : vector<16xf32>
        %div3A_764 = arith.constant 1.000000e+00 : f32
        %div3A_765 = vector.broadcast %div3A_764 : f32 to vector<16xf32>
        %div3A_766 = arith.divf %div3A_765, %add3A_763 : vector<16xf32>
        %neg3A_767 = arith.constant 0.000000e+00 : f32
        %neg3A_768 = vector.broadcast %neg3A_767 : f32 to vector<16xf32>
        %neg3A_769 = arith.subf %neg3A_768, %get3A_744 : vector<16xf32>
        %exp3A_770 = math.exp %neg3A_769 : vector<16xf32>
        %add3A_771 = arith.constant 1.000000e+00 : f32
        %add3A_772 = vector.broadcast %add3A_771 : f32 to vector<16xf32>
        %add3A_773 = arith.addf %add3A_772, %exp3A_770 : vector<16xf32>
        %div3A_774 = arith.constant 1.000000e+00 : f32
        %div3A_775 = vector.broadcast %div3A_774 : f32 to vector<16xf32>
        %div3A_776 = arith.divf %div3A_775, %add3A_773 : vector<16xf32>
        %abs3A_777 = math.absf %get3A_750 : vector<16xf32>
        %neg3A_778 = arith.constant 0.000000e+00 : f32
        %neg3A_779 = vector.broadcast %neg3A_778 : f32 to vector<16xf32>
        %neg3A_780 = arith.subf %neg3A_779, %abs3A_777 : vector<16xf32>
        %exp3A_781 = math.exp %neg3A_780 : vector<16xf32>
        %mul3A_782 = arith.constant -0.0683422312 : f32
        %mul3A_783 = vector.broadcast %mul3A_782 : f32 to vector<16xf32>
        %mul3A_784 = arith.mulf %mul3A_783, %exp3A_781 : vector<16xf32>
        %add3A_785 = arith.constant 0.245606884 : f32
        %add3A_786 = vector.broadcast %add3A_785 : f32 to vector<16xf32>
        %add3A_787 = arith.addf %mul3A_784, %add3A_786 : vector<16xf32>
        %mul3A_788 = arith.mulf %add3A_787, %exp3A_781 : vector<16xf32>
        %add3A_789 = arith.constant -0.484238118 : f32
        %add3A_790 = vector.broadcast %add3A_789 : f32 to vector<16xf32>
        %add3A_791 = arith.addf %mul3A_788, %add3A_790 : vector<16xf32>
        %max3A_792 = arith.constant 0.000000e+00 : f32
        %max3A_793 = vector.broadcast %max3A_792 : f32 to vector<16xf32>
        %max3A_794 = arith.maximumf %get3A_750, %max3A_793 : vector<16xf32>
        %mul3A_795 = arith.mulf %exp3A_781, %exp3A_781 : vector<16xf32>
        %mul3A_796 = arith.mulf %add3A_791, %mul3A_795 : vector<16xf32>
        %add3A_797 = arith.addf %mul3A_796, %exp3A_781 : vector<16xf32>
        %add3A_798 = arith.addf %max3A_794, %add3A_797 : vector<16xf32>
        %add3A_799 = arith.constant 9.99999974E-5 : f32
        %add3A_800 = vector.broadcast %add3A_799 : f32 to vector<16xf32>
        %add3A_801 = arith.addf %add3A_798, %add3A_800 : vector<16xf32>
        %abs3A_802 = math.absf %get3A_756 : vector<16xf32>
        %neg3A_803 = arith.constant 0.000000e+00 : f32
        %neg3A_804 = vector.broadcast %neg3A_803 : f32 to vector<16xf32>
        %neg3A_805 = arith.subf %neg3A_804, %abs3A_802 : vector<16xf32>
        %exp3A_806 = math.exp %neg3A_805 : vector<16xf32>
        %mul3A_807 = arith.constant -0.0683422312 : f32
        %mul3A_808 = vector.broadcast %mul3A_807 : f32 to vector<16xf32>
        %mul3A_809 = arith.mulf %mul3A_808, %exp3A_806 : vector<16xf32>
        %add3A_810 = arith.constant 0.245606884 : f32
        %add3A_811 = vector.broadcast %add3A_810 : f32 to vector<16xf32>
        %add3A_812 = arith.addf %mul3A_809, %add3A_811 : vector<16xf32>
        %mul3A_813 = arith.mulf %add3A_812, %exp3A_806 : vector<16xf32>
        %add3A_814 = arith.constant -0.484238118 : f32
        %add3A_815 = vector.broadcast %add3A_814 : f32 to vector<16xf32>
        %add3A_816 = arith.addf %mul3A_813, %add3A_815 : vector<16xf32>
        %max3A_817 = arith.constant 0.000000e+00 : f32
        %max3A_818 = vector.broadcast %max3A_817 : f32 to vector<16xf32>
        %max3A_819 = arith.maximumf %get3A_756, %max3A_818 : vector<16xf32>
        %mul3A_820 = arith.mulf %exp3A_806, %exp3A_806 : vector<16xf32>
        %mul3A_821 = arith.mulf %add3A_816, %mul3A_820 : vector<16xf32>
        %add3A_822 = arith.addf %mul3A_821, %exp3A_806 : vector<16xf32>
        %add3A_823 = arith.addf %max3A_819, %add3A_822 : vector<16xf32>
        %add3A_824 = arith.constant 9.99999974E-5 : f32
        %add3A_825 = vector.broadcast %add3A_824 : f32 to vector<16xf32>
        %add3A_826 = arith.addf %add3A_823, %add3A_825 : vector<16xf32>
        %sub3A_827 = arith.subf %div3A_766, %get3A_248 : vector<16xf32>
        %sub3A_828 = arith.subf %div3A_776, %get3A_272 : vector<16xf32>
        %mul3A_829 = arith.mulf %sub3A_827, %sub3A_827 : vector<16xf32>
        %mul3A_830 = arith.mulf %sub3A_828, %sub3A_828 : vector<16xf32>
        %add3A_831 = arith.addf %mul3A_829, %mul3A_830 : vector<16xf32>
        %jit3A_832 = arith.constant 1.000000e+09 : f32
        %broadcast_in_dim3A_833 = vector.broadcast %jit3A_832 : f32 to vector<16xf32>
        %select_n3A_834 = arith.select %gt3A_233, %add3A_831, %broadcast_in_dim3A_833 : vector<16xi1>, vector<16xf32>
        %sub3A_835 = arith.subf %div3A_766, %get3A_254 : vector<16xf32>
        %sub3A_836 = arith.subf %div3A_776, %get3A_278 : vector<16xf32>
        %mul3A_837 = arith.mulf %sub3A_835, %sub3A_835 : vector<16xf32>
        %mul3A_838 = arith.mulf %sub3A_836, %sub3A_836 : vector<16xf32>
        %add3A_839 = arith.addf %mul3A_837, %mul3A_838 : vector<16xf32>
        %jit3A_840 = arith.constant 1.000000e+09 : f32
        %broadcast_in_dim3A_841 = vector.broadcast %jit3A_840 : f32 to vector<16xf32>
        %select_n3A_842 = arith.select %gt3A_236, %add3A_839, %broadcast_in_dim3A_841 : vector<16xi1>, vector<16xf32>
        %lt3A_843 = arith.cmpf olt, %select_n3A_842, %select_n3A_834 : vector<16xf32>
        %select_n3A_844 = arith.select %lt3A_843, %select_n3A_842, %select_n3A_834 : vector<16xi1>, vector<16xf32>
        %select_n3A_845 = arith.select %lt3A_843, %get3A_254, %get3A_248 : vector<16xi1>, vector<16xf32>
        %select_n3A_846 = arith.select %lt3A_843, %get3A_278, %get3A_272 : vector<16xi1>, vector<16xf32>
        %sub3A_847 = arith.subf %div3A_766, %get3A_260 : vector<16xf32>
        %sub3A_848 = arith.subf %div3A_776, %get3A_284 : vector<16xf32>
        %mul3A_849 = arith.mulf %sub3A_847, %sub3A_847 : vector<16xf32>
        %mul3A_850 = arith.mulf %sub3A_848, %sub3A_848 : vector<16xf32>
        %add3A_851 = arith.addf %mul3A_849, %mul3A_850 : vector<16xf32>
        %jit3A_852 = arith.constant 1.000000e+09 : f32
        %broadcast_in_dim3A_853 = vector.broadcast %jit3A_852 : f32 to vector<16xf32>
        %select_n3A_854 = arith.select %gt3A_239, %add3A_851, %broadcast_in_dim3A_853 : vector<16xi1>, vector<16xf32>
        %lt3A_855 = arith.cmpf olt, %select_n3A_854, %select_n3A_844 : vector<16xf32>
        %select_n3A_856 = arith.select %lt3A_855, %select_n3A_854, %select_n3A_844 : vector<16xi1>, vector<16xf32>
        %select_n3A_857 = arith.select %lt3A_855, %get3A_260, %select_n3A_845 : vector<16xi1>, vector<16xf32>
        %select_n3A_858 = arith.select %lt3A_855, %get3A_284, %select_n3A_846 : vector<16xi1>, vector<16xf32>
        %sub3A_859 = arith.subf %div3A_766, %get3A_266 : vector<16xf32>
        %sub3A_860 = arith.subf %div3A_776, %get3A_290 : vector<16xf32>
        %mul3A_861 = arith.mulf %sub3A_859, %sub3A_859 : vector<16xf32>
        %mul3A_862 = arith.mulf %sub3A_860, %sub3A_860 : vector<16xf32>
        %add3A_863 = arith.addf %mul3A_861, %mul3A_862 : vector<16xf32>
        %jit3A_864 = arith.constant 1.000000e+09 : f32
        %broadcast_in_dim3A_865 = vector.broadcast %jit3A_864 : f32 to vector<16xf32>
        %select_n3A_866 = arith.select %gt3A_242, %add3A_863, %broadcast_in_dim3A_865 : vector<16xi1>, vector<16xf32>
        %lt3A_867 = arith.cmpf olt, %select_n3A_866, %select_n3A_856 : vector<16xf32>
        %select_n3A_868 = arith.select %lt3A_867, %select_n3A_866, %select_n3A_856 : vector<16xi1>, vector<16xf32>
        %select_n3A_869 = arith.select %lt3A_867, %get3A_266, %select_n3A_857 : vector<16xi1>, vector<16xf32>
        %select_n3A_870 = arith.select %lt3A_867, %get3A_290, %select_n3A_858 : vector<16xi1>, vector<16xf32>
        %sub3A_871 = arith.subf %select_n3A_869, %div3A_766 : vector<16xf32>
        %div3A_872 = arith.divf %sub3A_871, %add3A_801 : vector<16xf32>
        %sub3A_873 = arith.subf %select_n3A_870, %div3A_776 : vector<16xf32>
        %div3A_874 = arith.divf %sub3A_873, %add3A_826 : vector<16xf32>
        %abs3A_875 = math.absf %get3A_732 : vector<16xf32>
        %neg3A_876 = arith.constant 0.000000e+00 : f32
        %neg3A_877 = vector.broadcast %neg3A_876 : f32 to vector<16xf32>
        %neg3A_878 = arith.subf %neg3A_877, %abs3A_875 : vector<16xf32>
        %exp3A_879 = math.exp %neg3A_878 : vector<16xf32>
        %mul3A_880 = arith.constant -0.0683422312 : f32
        %mul3A_881 = vector.broadcast %mul3A_880 : f32 to vector<16xf32>
        %mul3A_882 = arith.mulf %mul3A_881, %exp3A_879 : vector<16xf32>
        %add3A_883 = arith.constant 0.245606884 : f32
        %add3A_884 = vector.broadcast %add3A_883 : f32 to vector<16xf32>
        %add3A_885 = arith.addf %mul3A_882, %add3A_884 : vector<16xf32>
        %mul3A_886 = arith.mulf %add3A_885, %exp3A_879 : vector<16xf32>
        %add3A_887 = arith.constant -0.484238118 : f32
        %add3A_888 = vector.broadcast %add3A_887 : f32 to vector<16xf32>
        %add3A_889 = arith.addf %mul3A_886, %add3A_888 : vector<16xf32>
        %max3A_890 = arith.constant 0.000000e+00 : f32
        %max3A_891 = vector.broadcast %max3A_890 : f32 to vector<16xf32>
        %max3A_892 = arith.maximumf %get3A_732, %max3A_891 : vector<16xf32>
        %mul3A_893 = arith.mulf %exp3A_879, %exp3A_879 : vector<16xf32>
        %mul3A_894 = arith.mulf %add3A_889, %mul3A_893 : vector<16xf32>
        %add3A_895 = arith.addf %mul3A_894, %exp3A_879 : vector<16xf32>
        %add3A_896 = arith.addf %max3A_892, %add3A_895 : vector<16xf32>
        %add3A_897 = arith.addf %add3A_678, %add3A_896 : vector<16xf32>
        %add3A_898 = arith.addf %add3A_679, %get3A_732 : vector<16xf32>
        %mul3A_899 = arith.mulf %div3A_872, %div3A_872 : vector<16xf32>
        %mul3A_900 = arith.mulf %div3A_874, %div3A_874 : vector<16xf32>
        %add3A_901 = arith.addf %mul3A_899, %mul3A_900 : vector<16xf32>
        %mul3A_902 = arith.constant 5.000000e-01 : f32
        %mul3A_903 = vector.broadcast %mul3A_902 : f32 to vector<16xf32>
        %mul3A_904 = arith.mulf %mul3A_903, %add3A_901 : vector<16xf32>
        %mul3A_905 = arith.mulf %add3A_801, %add3A_826 : vector<16xf32>
        %bitcast_convert_type3A_906 = tpu.bitcast %mul3A_905 : vector<16xf32> -> vector<16xi32>
        %shift_right_arithmetic3A_907 = arith.constant 23 : i32
        %shift_right_arithmetic3A_908 = vector.broadcast %shift_right_arithmetic3A_907 : i32 to vector<16xi32>
        %shift_right_arithmetic3A_909 = arith.shrsi %bitcast_convert_type3A_906, %shift_right_arithmetic3A_908 : vector<16xi32>
        %sub3A_910 = arith.constant 127 : i32
        %sub3A_911 = vector.broadcast %sub3A_910 : i32 to vector<16xi32>
        %sub3A_912 = arith.subi %shift_right_arithmetic3A_909, %sub3A_911 : vector<16xi32>
        %and3A_913 = arith.constant 8388607 : i32
        %and3A_914 = vector.broadcast %and3A_913 : i32 to vector<16xi32>
        %and3A_915 = arith.andi %bitcast_convert_type3A_906, %and3A_914 : vector<16xi32>
        %or3A_916 = arith.constant 1065353216 : i32
        %or3A_917 = vector.broadcast %or3A_916 : i32 to vector<16xi32>
        %or3A_918 = arith.ori %and3A_915, %or3A_917 : vector<16xi32>
        %bitcast_convert_type3A_919 = tpu.bitcast %or3A_918 : vector<16xi32> -> vector<16xf32>
        %sub3A_920 = arith.constant 1.000000e+00 : f32
        %sub3A_921 = vector.broadcast %sub3A_920 : f32 to vector<16xf32>
        %sub3A_922 = arith.subf %bitcast_convert_type3A_919, %sub3A_921 : vector<16xf32>
        %mul3A_923 = arith.constant -0.0683422312 : f32
        %mul3A_924 = vector.broadcast %mul3A_923 : f32 to vector<16xf32>
        %mul3A_925 = arith.mulf %mul3A_924, %sub3A_922 : vector<16xf32>
        %add3A_926 = arith.constant 0.245606884 : f32
        %add3A_927 = vector.broadcast %add3A_926 : f32 to vector<16xf32>
        %add3A_928 = arith.addf %mul3A_925, %add3A_927 : vector<16xf32>
        %mul3A_929 = arith.mulf %add3A_928, %sub3A_922 : vector<16xf32>
        %add3A_930 = arith.constant -0.484238118 : f32
        %add3A_931 = vector.broadcast %add3A_930 : f32 to vector<16xf32>
        %add3A_932 = arith.addf %mul3A_929, %add3A_931 : vector<16xf32>
        %convert_element_type3A_933 = arith.sitofp %sub3A_912 : vector<16xi32> to vector<16xf32>
        %mul3A_934 = arith.constant 0.693147182 : f32
        %mul3A_935 = vector.broadcast %mul3A_934 : f32 to vector<16xf32>
        %mul3A_936 = arith.mulf %convert_element_type3A_933, %mul3A_935 : vector<16xf32>
        %mul3A_937 = arith.mulf %sub3A_922, %sub3A_922 : vector<16xf32>
        %mul3A_938 = arith.mulf %add3A_932, %mul3A_937 : vector<16xf32>
        %add3A_939 = arith.addf %mul3A_938, %sub3A_922 : vector<16xf32>
        %add3A_940 = arith.addf %mul3A_936, %add3A_939 : vector<16xf32>
        %add3A_941 = arith.addf %mul3A_904, %add3A_940 : vector<16xf32>
        %add3A_942 = arith.constant 1.83787704 : f32
        %add3A_943 = vector.broadcast %add3A_942 : f32 to vector<16xf32>
        %add3A_944 = arith.addf %add3A_941, %add3A_943 : vector<16xf32>
        %add3A_945 = arith.addf %add3A_726, %add3A_944 : vector<16xf32>
        %get3A_946 = arith.constant 15 : i32
        %get3A_947 = arith.index_cast %select_n3A_79 : i32 to index
        %get3A_948 = arith.index_cast %get3A_946 : i32 to index
        %get3A_949 = arith.index_cast %select_n3A_207 : i32 to index
        %get3A_950 = arith.index_cast %mul3A_225 : i32 to index
        %get3A_951 = tpu.vector_load %arg6[%get3A_947, %get3A_948, %get3A_949, %get3A_950] {strides = array<i32>} : memref<2x20x16x80xf32, #tpu.memory_space<vmem>>, vector<16xf32>,
        %get3A_952 = arith.constant 16 : i32
        %get3A_953 = arith.index_cast %select_n3A_79 : i32 to index
        %get3A_954 = arith.index_cast %get3A_952 : i32 to index
        %get3A_955 = arith.index_cast %select_n3A_207 : i32 to index
        %get3A_956 = arith.index_cast %mul3A_225 : i32 to index
        %get3A_957 = tpu.vector_load %arg6[%get3A_953, %get3A_954, %get3A_955, %get3A_956] {strides = array<i32>} : memref<2x20x16x80xf32, #tpu.memory_space<vmem>>, vector<16xf32>,
        %get3A_958 = arith.constant 17 : i32
        %get3A_959 = arith.index_cast %select_n3A_79 : i32 to index
        %get3A_960 = arith.index_cast %get3A_958 : i32 to index
        %get3A_961 = arith.index_cast %select_n3A_207 : i32 to index
        %get3A_962 = arith.index_cast %mul3A_225 : i32 to index
        %get3A_963 = tpu.vector_load %arg6[%get3A_959, %get3A_960, %get3A_961, %get3A_962] {strides = array<i32>} : memref<2x20x16x80xf32, #tpu.memory_space<vmem>>, vector<16xf32>,
        %get3A_964 = arith.constant 18 : i32
        %get3A_965 = arith.index_cast %select_n3A_79 : i32 to index
        %get3A_966 = arith.index_cast %get3A_964 : i32 to index
        %get3A_967 = arith.index_cast %select_n3A_207 : i32 to index
        %get3A_968 = arith.index_cast %mul3A_225 : i32 to index
        %get3A_969 = tpu.vector_load %arg6[%get3A_965, %get3A_966, %get3A_967, %get3A_968] {strides = array<i32>} : memref<2x20x16x80xf32, #tpu.memory_space<vmem>>, vector<16xf32>,
        %get3A_970 = arith.constant 19 : i32
        %get3A_971 = arith.index_cast %select_n3A_79 : i32 to index
        %get3A_972 = arith.index_cast %get3A_970 : i32 to index
        %get3A_973 = arith.index_cast %select_n3A_207 : i32 to index
        %get3A_974 = arith.index_cast %mul3A_225 : i32 to index
        %get3A_975 = tpu.vector_load %arg6[%get3A_971, %get3A_972, %get3A_973, %get3A_974] {strides = array<i32>} : memref<2x20x16x80xf32, #tpu.memory_space<vmem>>, vector<16xf32>,
        %neg3A_976 = arith.constant 0.000000e+00 : f32
        %neg3A_977 = vector.broadcast %neg3A_976 : f32 to vector<16xf32>
        %neg3A_978 = arith.subf %neg3A_977, %get3A_957 : vector<16xf32>
        %exp3A_979 = math.exp %neg3A_978 : vector<16xf32>
        %add3A_980 = arith.constant 1.000000e+00 : f32
        %add3A_981 = vector.broadcast %add3A_980 : f32 to vector<16xf32>
        %add3A_982 = arith.addf %add3A_981, %exp3A_979 : vector<16xf32>
        %div3A_983 = arith.constant 1.000000e+00 : f32
        %div3A_984 = vector.broadcast %div3A_983 : f32 to vector<16xf32>
        %div3A_985 = arith.divf %div3A_984, %add3A_982 : vector<16xf32>
        %neg3A_986 = arith.constant 0.000000e+00 : f32
        %neg3A_987 = vector.broadcast %neg3A_986 : f32 to vector<16xf32>
        %neg3A_988 = arith.subf %neg3A_987, %get3A_963 : vector<16xf32>
        %exp3A_989 = math.exp %neg3A_988 : vector<16xf32>
        %add3A_990 = arith.constant 1.000000e+00 : f32
        %add3A_991 = vector.broadcast %add3A_990 : f32 to vector<16xf32>
        %add3A_992 = arith.addf %add3A_991, %exp3A_989 : vector<16xf32>
        %div3A_993 = arith.constant 1.000000e+00 : f32
        %div3A_994 = vector.broadcast %div3A_993 : f32 to vector<16xf32>
        %div3A_995 = arith.divf %div3A_994, %add3A_992 : vector<16xf32>
        %abs3A_996 = math.absf %get3A_969 : vector<16xf32>
        %neg3A_997 = arith.constant 0.000000e+00 : f32
        %neg3A_998 = vector.broadcast %neg3A_997 : f32 to vector<16xf32>
        %neg3A_999 = arith.subf %neg3A_998, %abs3A_996 : vector<16xf32>
        %exp3A_1000 = math.exp %neg3A_999 : vector<16xf32>
        %mul3A_1001 = arith.constant -0.0683422312 : f32
        %mul3A_1002 = vector.broadcast %mul3A_1001 : f32 to vector<16xf32>
        %mul3A_1003 = arith.mulf %mul3A_1002, %exp3A_1000 : vector<16xf32>
        %add3A_1004 = arith.constant 0.245606884 : f32
        %add3A_1005 = vector.broadcast %add3A_1004 : f32 to vector<16xf32>
        %add3A_1006 = arith.addf %mul3A_1003, %add3A_1005 : vector<16xf32>
        %mul3A_1007 = arith.mulf %add3A_1006, %exp3A_1000 : vector<16xf32>
        %add3A_1008 = arith.constant -0.484238118 : f32
        %add3A_1009 = vector.broadcast %add3A_1008 : f32 to vector<16xf32>
        %add3A_1010 = arith.addf %mul3A_1007, %add3A_1009 : vector<16xf32>
        %max3A_1011 = arith.constant 0.000000e+00 : f32
        %max3A_1012 = vector.broadcast %max3A_1011 : f32 to vector<16xf32>
        %max3A_1013 = arith.maximumf %get3A_969, %max3A_1012 : vector<16xf32>
        %mul3A_1014 = arith.mulf %exp3A_1000, %exp3A_1000 : vector<16xf32>
        %mul3A_1015 = arith.mulf %add3A_1010, %mul3A_1014 : vector<16xf32>
        %add3A_1016 = arith.addf %mul3A_1015, %exp3A_1000 : vector<16xf32>
        %add3A_1017 = arith.addf %max3A_1013, %add3A_1016 : vector<16xf32>
        %add3A_1018 = arith.constant 9.99999974E-5 : f32
        %add3A_1019 = vector.broadcast %add3A_1018 : f32 to vector<16xf32>
        %add3A_1020 = arith.addf %add3A_1017, %add3A_1019 : vector<16xf32>
        %abs3A_1021 = math.absf %get3A_975 : vector<16xf32>
        %neg3A_1022 = arith.constant 0.000000e+00 : f32
        %neg3A_1023 = vector.broadcast %neg3A_1022 : f32 to vector<16xf32>
        %neg3A_1024 = arith.subf %neg3A_1023, %abs3A_1021 : vector<16xf32>
        %exp3A_1025 = math.exp %neg3A_1024 : vector<16xf32>
        %mul3A_1026 = arith.constant -0.0683422312 : f32
        %mul3A_1027 = vector.broadcast %mul3A_1026 : f32 to vector<16xf32>
        %mul3A_1028 = arith.mulf %mul3A_1027, %exp3A_1025 : vector<16xf32>
        %add3A_1029 = arith.constant 0.245606884 : f32
        %add3A_1030 = vector.broadcast %add3A_1029 : f32 to vector<16xf32>
        %add3A_1031 = arith.addf %mul3A_1028, %add3A_1030 : vector<16xf32>
        %mul3A_1032 = arith.mulf %add3A_1031, %exp3A_1025 : vector<16xf32>
        %add3A_1033 = arith.constant -0.484238118 : f32
        %add3A_1034 = vector.broadcast %add3A_1033 : f32 to vector<16xf32>
        %add3A_1035 = arith.addf %mul3A_1032, %add3A_1034 : vector<16xf32>
        %max3A_1036 = arith.constant 0.000000e+00 : f32
        %max3A_1037 = vector.broadcast %max3A_1036 : f32 to vector<16xf32>
        %max3A_1038 = arith.maximumf %get3A_975, %max3A_1037 : vector<16xf32>
        %mul3A_1039 = arith.mulf %exp3A_1025, %exp3A_1025 : vector<16xf32>
        %mul3A_1040 = arith.mulf %add3A_1035, %mul3A_1039 : vector<16xf32>
        %add3A_1041 = arith.addf %mul3A_1040, %exp3A_1025 : vector<16xf32>
        %add3A_1042 = arith.addf %max3A_1038, %add3A_1041 : vector<16xf32>
        %add3A_1043 = arith.constant 9.99999974E-5 : f32
        %add3A_1044 = vector.broadcast %add3A_1043 : f32 to vector<16xf32>
        %add3A_1045 = arith.addf %add3A_1042, %add3A_1044 : vector<16xf32>
        %sub3A_1046 = arith.subf %div3A_985, %get3A_248 : vector<16xf32>
        %sub3A_1047 = arith.subf %div3A_995, %get3A_272 : vector<16xf32>
        %mul3A_1048 = arith.mulf %sub3A_1046, %sub3A_1046 : vector<16xf32>
        %mul3A_1049 = arith.mulf %sub3A_1047, %sub3A_1047 : vector<16xf32>
        %add3A_1050 = arith.addf %mul3A_1048, %mul3A_1049 : vector<16xf32>
        %jit3A_1051 = arith.constant 1.000000e+09 : f32
        %broadcast_in_dim3A_1052 = vector.broadcast %jit3A_1051 : f32 to vector<16xf32>
        %select_n3A_1053 = arith.select %gt3A_233, %add3A_1050, %broadcast_in_dim3A_1052 : vector<16xi1>, vector<16xf32>
        %sub3A_1054 = arith.subf %div3A_985, %get3A_254 : vector<16xf32>
        %sub3A_1055 = arith.subf %div3A_995, %get3A_278 : vector<16xf32>
        %mul3A_1056 = arith.mulf %sub3A_1054, %sub3A_1054 : vector<16xf32>
        %mul3A_1057 = arith.mulf %sub3A_1055, %sub3A_1055 : vector<16xf32>
        %add3A_1058 = arith.addf %mul3A_1056, %mul3A_1057 : vector<16xf32>
        %jit3A_1059 = arith.constant 1.000000e+09 : f32
        %broadcast_in_dim3A_1060 = vector.broadcast %jit3A_1059 : f32 to vector<16xf32>
        %select_n3A_1061 = arith.select %gt3A_236, %add3A_1058, %broadcast_in_dim3A_1060 : vector<16xi1>, vector<16xf32>
        %lt3A_1062 = arith.cmpf olt, %select_n3A_1061, %select_n3A_1053 : vector<16xf32>
        %select_n3A_1063 = arith.select %lt3A_1062, %select_n3A_1061, %select_n3A_1053 : vector<16xi1>, vector<16xf32>
        %select_n3A_1064 = arith.select %lt3A_1062, %get3A_254, %get3A_248 : vector<16xi1>, vector<16xf32>
        %select_n3A_1065 = arith.select %lt3A_1062, %get3A_278, %get3A_272 : vector<16xi1>, vector<16xf32>
        %sub3A_1066 = arith.subf %div3A_985, %get3A_260 : vector<16xf32>
        %sub3A_1067 = arith.subf %div3A_995, %get3A_284 : vector<16xf32>
        %mul3A_1068 = arith.mulf %sub3A_1066, %sub3A_1066 : vector<16xf32>
        %mul3A_1069 = arith.mulf %sub3A_1067, %sub3A_1067 : vector<16xf32>
        %add3A_1070 = arith.addf %mul3A_1068, %mul3A_1069 : vector<16xf32>
        %jit3A_1071 = arith.constant 1.000000e+09 : f32
        %broadcast_in_dim3A_1072 = vector.broadcast %jit3A_1071 : f32 to vector<16xf32>
        %select_n3A_1073 = arith.select %gt3A_239, %add3A_1070, %broadcast_in_dim3A_1072 : vector<16xi1>, vector<16xf32>
        %lt3A_1074 = arith.cmpf olt, %select_n3A_1073, %select_n3A_1063 : vector<16xf32>
        %select_n3A_1075 = arith.select %lt3A_1074, %select_n3A_1073, %select_n3A_1063 : vector<16xi1>, vector<16xf32>
        %select_n3A_1076 = arith.select %lt3A_1074, %get3A_260, %select_n3A_1064 : vector<16xi1>, vector<16xf32>
        %select_n3A_1077 = arith.select %lt3A_1074, %get3A_284, %select_n3A_1065 : vector<16xi1>, vector<16xf32>
        %sub3A_1078 = arith.subf %div3A_985, %get3A_266 : vector<16xf32>
        %sub3A_1079 = arith.subf %div3A_995, %get3A_290 : vector<16xf32>
        %mul3A_1080 = arith.mulf %sub3A_1078, %sub3A_1078 : vector<16xf32>
        %mul3A_1081 = arith.mulf %sub3A_1079, %sub3A_1079 : vector<16xf32>
        %add3A_1082 = arith.addf %mul3A_1080, %mul3A_1081 : vector<16xf32>
        %jit3A_1083 = arith.constant 1.000000e+09 : f32
        %broadcast_in_dim3A_1084 = vector.broadcast %jit3A_1083 : f32 to vector<16xf32>
        %select_n3A_1085 = arith.select %gt3A_242, %add3A_1082, %broadcast_in_dim3A_1084 : vector<16xi1>, vector<16xf32>
        %lt3A_1086 = arith.cmpf olt, %select_n3A_1085, %select_n3A_1075 : vector<16xf32>
        %select_n3A_1087 = arith.select %lt3A_1086, %select_n3A_1085, %select_n3A_1075 : vector<16xi1>, vector<16xf32>
        %select_n3A_1088 = arith.select %lt3A_1086, %get3A_266, %select_n3A_1076 : vector<16xi1>, vector<16xf32>
        %select_n3A_1089 = arith.select %lt3A_1086, %get3A_290, %select_n3A_1077 : vector<16xi1>, vector<16xf32>
        %sub3A_1090 = arith.subf %select_n3A_1088, %div3A_985 : vector<16xf32>
        %div3A_1091 = arith.divf %sub3A_1090, %add3A_1020 : vector<16xf32>
        %sub3A_1092 = arith.subf %select_n3A_1089, %div3A_995 : vector<16xf32>
        %div3A_1093 = arith.divf %sub3A_1092, %add3A_1045 : vector<16xf32>
        %abs3A_1094 = math.absf %get3A_951 : vector<16xf32>
        %neg3A_1095 = arith.constant 0.000000e+00 : f32
        %neg3A_1096 = vector.broadcast %neg3A_1095 : f32 to vector<16xf32>
        %neg3A_1097 = arith.subf %neg3A_1096, %abs3A_1094 : vector<16xf32>
        %exp3A_1098 = math.exp %neg3A_1097 : vector<16xf32>
        %mul3A_1099 = arith.constant -0.0683422312 : f32
        %mul3A_1100 = vector.broadcast %mul3A_1099 : f32 to vector<16xf32>
        %mul3A_1101 = arith.mulf %mul3A_1100, %exp3A_1098 : vector<16xf32>
        %add3A_1102 = arith.constant 0.245606884 : f32
        %add3A_1103 = vector.broadcast %add3A_1102 : f32 to vector<16xf32>
        %add3A_1104 = arith.addf %mul3A_1101, %add3A_1103 : vector<16xf32>
        %mul3A_1105 = arith.mulf %add3A_1104, %exp3A_1098 : vector<16xf32>
        %add3A_1106 = arith.constant -0.484238118 : f32
        %add3A_1107 = vector.broadcast %add3A_1106 : f32 to vector<16xf32>
        %add3A_1108 = arith.addf %mul3A_1105, %add3A_1107 : vector<16xf32>
        %max3A_1109 = arith.constant 0.000000e+00 : f32
        %max3A_1110 = vector.broadcast %max3A_1109 : f32 to vector<16xf32>
        %max3A_1111 = arith.maximumf %get3A_951, %max3A_1110 : vector<16xf32>
        %mul3A_1112 = arith.mulf %exp3A_1098, %exp3A_1098 : vector<16xf32>
        %mul3A_1113 = arith.mulf %add3A_1108, %mul3A_1112 : vector<16xf32>
        %add3A_1114 = arith.addf %mul3A_1113, %exp3A_1098 : vector<16xf32>
        %add3A_1115 = arith.addf %max3A_1111, %add3A_1114 : vector<16xf32>
        %add3A_1116 = arith.addf %add3A_897, %add3A_1115 : vector<16xf32>
        %add3A_1117 = arith.addf %add3A_898, %get3A_951 : vector<16xf32>
        %mul3A_1118 = arith.mulf %div3A_1091, %div3A_1091 : vector<16xf32>
        %mul3A_1119 = arith.mulf %div3A_1093, %div3A_1093 : vector<16xf32>
        %add3A_1120 = arith.addf %mul3A_1118, %mul3A_1119 : vector<16xf32>
        %mul3A_1121 = arith.constant 5.000000e-01 : f32
        %mul3A_1122 = vector.broadcast %mul3A_1121 : f32 to vector<16xf32>
        %mul3A_1123 = arith.mulf %mul3A_1122, %add3A_1120 : vector<16xf32>
        %mul3A_1124 = arith.mulf %add3A_1020, %add3A_1045 : vector<16xf32>
        %bitcast_convert_type3A_1125 = tpu.bitcast %mul3A_1124 : vector<16xf32> -> vector<16xi32>
        %shift_right_arithmetic3A_1126 = arith.constant 23 : i32
        %shift_right_arithmetic3A_1127 = vector.broadcast %shift_right_arithmetic3A_1126 : i32 to vector<16xi32>
        %shift_right_arithmetic3A_1128 = arith.shrsi %bitcast_convert_type3A_1125, %shift_right_arithmetic3A_1127 : vector<16xi32>
        %sub3A_1129 = arith.constant 127 : i32
        %sub3A_1130 = vector.broadcast %sub3A_1129 : i32 to vector<16xi32>
        %sub3A_1131 = arith.subi %shift_right_arithmetic3A_1128, %sub3A_1130 : vector<16xi32>
        %and3A_1132 = arith.constant 8388607 : i32
        %and3A_1133 = vector.broadcast %and3A_1132 : i32 to vector<16xi32>
        %and3A_1134 = arith.andi %bitcast_convert_type3A_1125, %and3A_1133 : vector<16xi32>
        %or3A_1135 = arith.constant 1065353216 : i32
        %or3A_1136 = vector.broadcast %or3A_1135 : i32 to vector<16xi32>
        %or3A_1137 = arith.ori %and3A_1134, %or3A_1136 : vector<16xi32>
        %bitcast_convert_type3A_1138 = tpu.bitcast %or3A_1137 : vector<16xi32> -> vector<16xf32>
        %sub3A_1139 = arith.constant 1.000000e+00 : f32
        %sub3A_1140 = vector.broadcast %sub3A_1139 : f32 to vector<16xf32>
        %sub3A_1141 = arith.subf %bitcast_convert_type3A_1138, %sub3A_1140 : vector<16xf32>
        %mul3A_1142 = arith.constant -0.0683422312 : f32
        %mul3A_1143 = vector.broadcast %mul3A_1142 : f32 to vector<16xf32>
        %mul3A_1144 = arith.mulf %mul3A_1143, %sub3A_1141 : vector<16xf32>
        %add3A_1145 = arith.constant 0.245606884 : f32
        %add3A_1146 = vector.broadcast %add3A_1145 : f32 to vector<16xf32>
        %add3A_1147 = arith.addf %mul3A_1144, %add3A_1146 : vector<16xf32>
        %mul3A_1148 = arith.mulf %add3A_1147, %sub3A_1141 : vector<16xf32>
        %add3A_1149 = arith.constant -0.484238118 : f32
        %add3A_1150 = vector.broadcast %add3A_1149 : f32 to vector<16xf32>
        %add3A_1151 = arith.addf %mul3A_1148, %add3A_1150 : vector<16xf32>
        %convert_element_type3A_1152 = arith.sitofp %sub3A_1131 : vector<16xi32> to vector<16xf32>
        %mul3A_1153 = arith.constant 0.693147182 : f32
        %mul3A_1154 = vector.broadcast %mul3A_1153 : f32 to vector<16xf32>
        %mul3A_1155 = arith.mulf %convert_element_type3A_1152, %mul3A_1154 : vector<16xf32>
        %mul3A_1156 = arith.mulf %sub3A_1141, %sub3A_1141 : vector<16xf32>
        %mul3A_1157 = arith.mulf %add3A_1151, %mul3A_1156 : vector<16xf32>
        %add3A_1158 = arith.addf %mul3A_1157, %sub3A_1141 : vector<16xf32>
        %add3A_1159 = arith.addf %mul3A_1155, %add3A_1158 : vector<16xf32>
        %add3A_1160 = arith.addf %mul3A_1123, %add3A_1159 : vector<16xf32>
        %add3A_1161 = arith.constant 1.83787704 : f32
        %add3A_1162 = vector.broadcast %add3A_1161 : f32 to vector<16xf32>
        %add3A_1163 = arith.addf %add3A_1160, %add3A_1162 : vector<16xf32>
        %add3A_1164 = arith.addf %add3A_945, %add3A_1163 : vector<16xf32>
        %sub3A_1165 = arith.subf %add3A_1116, %add3A_1117 : vector<16xf32>
        %add3A_1166 = arith.addf %sub3A_1165, %add3A_1164 : vector<16xf32>
        %mul3A_1167 = arith.constant 1.000000e-01 : f32
        %mul3A_1168 = vector.broadcast %mul3A_1167 : f32 to vector<16xf32>
        %mul3A_1169 = arith.mulf %mul3A_1168, %add3A_1116 : vector<16xf32>
        %select_n3A_1170 = arith.select %gt3A_230, %add3A_1166, %mul3A_1169 : vector<16xi1>, vector<16xf32>
        %swap3A = arith.index_cast %select_n3A_207 : i32 to index
        %swap3A_1171 = arith.index_cast %mul3A_225 : i32 to index
        %swap3A_1172 = tpu.vector_load %arg9[%swap3A, %swap3A_1171] {strides = array<i32>} : memref<16x80xf32, #tpu.memory_space<vmem>>, vector<16xf32>,
        tpu.vector_store %arg9[%swap3A, %swap3A_1171], %select_n3A_1170 {strides = array<i32>} : memref<16x80xf32, #tpu.memory_space<vmem>>, vector<16xf32>,
        %scan3A_1173 = arith.constant 0 : i32
        scf.yield %scan3A_1173 : i32
      }
      %scan3A_180 = arith.constant 80 : i32
      "tpu.region"() ({
        %run_scoped3A = tpu.sem_alloc : memref<!tpu.dma_semaphore, #tpu.memory_space<semaphore_mem>>
        %dma_start3A_182 = arith.constant 0 : i32
        %dma_start3A_183 = tpu.memref_slice %arg5[%add3A_103, %mul3A_121, %dma_start3A_182] : memref<64x80x80xf32, #tpu.memory_space<hbm>> -> memref<1x16x80xf32, #tpu.memory_space<hbm>>
        %dma_start3A_184 = tpu.memref_squeeze %dma_start3A_183 : memref<1x16x80xf32, #tpu.memory_space<hbm>> -> memref<16x80xf32, #tpu.memory_space<hbm>>
        %dma_start3A_185 = arith.constant 0 : i32
        %dma_start3A_186 = tpu.memref_slice %arg5[%add3A_103, %mul3A_121, %dma_start3A_185] : memref<64x80x80xf32, #tpu.memory_space<hbm>> -> memref<1x16x80xf32, #tpu.memory_space<hbm>>
        %dma_start3A_187 = tpu.memref_squeeze %dma_start3A_186 : memref<1x16x80xf32, #tpu.memory_space<hbm>> -> memref<16x80xf32, #tpu.memory_space<hbm>>
        tpu.enqueue_dma source(%arg9 : memref<16x80xf32, #tpu.memory_space<vmem>>) target(%dma_start3A_187 : memref<16x80xf32, #tpu.memory_space<hbm>>) target_semaphore(%run_scoped3A : memref<!tpu.dma_semaphore, #tpu.memory_space<semaphore_mem>>)
        %dma_wait3A_188 = arith.constant 0 : i32
        %dma_wait3A_189 = tpu.memref_slice %arg5[%add3A_103, %mul3A_121, %dma_wait3A_188] : memref<64x80x80xf32, #tpu.memory_space<hbm>> -> memref<1x16x80xf32, #tpu.memory_space<hbm>>
        %dma_wait3A_190 = tpu.memref_squeeze %dma_wait3A_189 : memref<1x16x80xf32, #tpu.memory_space<hbm>> -> memref<16x80xf32, #tpu.memory_space<hbm>>
        %dma_wait3A_191 = arith.constant 0 : i32
        %dma_wait3A_192 = tpu.memref_slice %arg5[%add3A_103, %mul3A_121, %dma_wait3A_191] : memref<64x80x80xf32, #tpu.memory_space<hbm>> -> memref<1x16x80xf32, #tpu.memory_space<hbm>>
        %dma_wait3A_193 = tpu.memref_squeeze %dma_wait3A_192 : memref<1x16x80xf32, #tpu.memory_space<hbm>> -> memref<16x80xf32, #tpu.memory_space<hbm>>
        tpu.wait_dma2 semaphore(%run_scoped3A : memref<!tpu.dma_semaphore, #tpu.memory_space<semaphore_mem>>) src(%arg9 : memref<16x80xf32, #tpu.memory_space<vmem>>) dst(%dma_wait3A_193 : memref<16x80xf32, #tpu.memory_space<hbm>>)
        tpu.yield
      }) : () -> ()
      %scan3A_181 = arith.constant 0 : i32
      scf.yield %scan3A_181 : i32
    }
    %scan3A_68 = arith.constant 10 : i32
    return
  }
}

</mosaic_0001>

<sc_bundles>
// kernel: _sc_nll.3.cloned.1.call-start
scs
__scs_entry_jumppad:
0x0: {  	(pc) =	sbr.rel $0x88, $3  }
0x1: {  	(tag) =	ssettag $0x0;
	lr =	simm.s32 $0x1  }
0x2: {  	[smem:$0x3F9E] =	sst lr;
	_ =	strace $0xD0000000  }
0x3: {  	_ = 	snop  }
0x4: {  	_ = 	snop  }
0x5: {  	_ = 	snop  }
0x6: {  	_ = 	snop  }
0x7: {  	_ = 	snop  }
__scs_overlays_trampoline_lowered:
0x8: {  	[smem:$0x3FAD] =	sst s0  }
0x9: {  	[smem:$0x3FAE] =	sst s1  }
0xa: {  	[smem:$0x3FAF] =	sst s2  }
0xb: {  	[smem:$0x3FB0] =	sst s3  }
0xc: {  	[smem:$0x3FB1] =	sst s4  }
0xd: {  	[smem:$0x3FB2] =	sst s5  }
0xe: {  	[smem:$0x3FB3] =	sst s6  }
0xf: {  	[smem:$0x3FB4] =	sst s7  }
0x10: {  	[smem:$0x3FB5] =	sst s8  }
0x11: {  	[smem:$0x3FB6] =	sst s9;
	s0 =	simm.s32 @!p0 $0x0  }
0x12: {  	s1 =	sld [smem:$0x3F9C];
	s0 =	simm.s32 @p0 $0x1  }
0x13: {  	[smem:$0x3FB7] =	sst s0;
	s0 =	simm.s32 @!p1 $0x0  }
0x14: {  	s2 =	sld [smem:$0x3F9B];
	s0 =	simm.s32 @p1 $0x1  }
0x15: {  	[smem:$0x3FB8] =	sst s0;
	s0 =	simm.s32 @!p2 $0x0  }
0x16: {  	s3 =	sld [smem:$0x3FDB];
	s0 =	simm.s32 @p2 $0x1  }
0x17: {  	s4 =	simm.s32 $0x1BF5;
	[smem:$0x3FBA] =	sst s0  }
0x18: {  	s0 =	sld [smem:$0x3F9D];
	_ =	swait.ge [sflag:s4], $0x0  }
0x19: {  	s7 =	sld [smem:$0x3F9E]  }
0x1a: {  	s8 =	sadd.s32 $0xFFFFE003, lr  }
0x1b: {  	s9 =	sadd.s32 $0xFFFFFEF7, lr;
	s5 =	simm.s32 $0xFFFFFFFF;
	p2 =	slt.u32 s8, $0xFFFFF086  }
0x1c: {  	p1 =	slt.u32 s9, $0xF7A;
	s5 =	simm.s32 @!p2 $0x0  }
0x1d: {  	s5 =	simm.s32 @p1 $0x1;
	p0 =	seq.s32 s7, s2  }
0x1e: {  	s7 =	smul.u32 @!p0 $0xF7A, s2;
	p2 =	seq.s32 @!p0 s5, $0x0  }
0x1f: {  	s9 =	smul.u32 $0xF7A, s1;
	s8 =	simm.s32 @!p0 $0x1BF5;
	p2 =	por !p2, p0  }
0x20: {  	[sflag:s8] =	ssyncset.s32 @!p0 $0xFFFFF086;
	s6 =	sadd.s32 @!p0 s3, s7;
	s7 =	simm.s32 @!p0 $0x108  }
0x21: {  	s3 =	sadd.s32 s3, s9;
	s6 =	sadd.s32 @!p0 $0x88, s6;
	s7 =	simm.s32 @p2 $0x1082  }
0x22: {  	[simem:s7], [sflag:s8] =	dma.local @!p0 [hbm:s6], $0xF7A  }
0x23: {  	s9 =	sor.u32 $0xD0000000, s2;
	s6 =	simm.s32 $0x108;
	_ =	swait.ge @!p0 [sflag:s8], $0x0  }
0x24: {  	s3 =	sadd.s32 $0x88, s3;
	s6 =	simm.s32 @!p1 $0x1082;
	[sflag:s4] =	ssyncset.s32 $0xFFFFF086  }
0x25: {  	[simem:s6], [sflag:s4] =	dma.local [hbm:s3], $0xF7A  }
0x26: {  	[smem:$0x3F9E] =	sst s1;
	(tag) =	ssettag s2;
	_ =	strace s9  }
0x27: {  	s1 =	sld [smem:$0x3FAE]  }
0x28: {  	s2 =	sld [smem:$0x3FAF]  }
0x29: {  	s4 =	sld [smem:$0x3FB1]  }
0x2a: {  	p0 =	seq.s32 s5, $0x0;
	s5 =	sld [smem:$0x3FB2]  }
0x2b: {  	s6 =	sld [smem:$0x3FB3]  }
0x2c: {  	s7 =	sld [smem:$0x3FB4]  }
0x2d: {  	s3 =	simm.s32 $0x108;
	s8 =	sld [smem:$0x3FB5]  }
0x2e: {  	s3 =	simm.s32 @!p0 $0x1082;
	s9 =	sld [smem:$0x3FB6]  }
0x2f: {  	lr =	sadd.s32 s0, s3;
	s0 =	sld [smem:$0x3FAD]  }
0x30: {  	s3 =	sld [smem:$0x3FB0]  }
0x31: {  	[smem:$0x3FB9] =	sst s10  }
0x32: {  	s10 =	sld [smem:$0x3FB7];
	_ =	sdelay $0x3  }
0x33: {  	p0 =	seq.s32 s10, $0x1;
	s10 =	sld [smem:$0x3FB9];
	_ =	sdelay $0x3  }
0x34: {  	[smem:$0x3FB9] =	sst s10  }
0x35: {  	s10 =	sld [smem:$0x3FB8];
	_ =	sdelay $0x3  }
0x36: {  	p1 =	seq.s32 s10, $0x1;
	s10 =	sld [smem:$0x3FB9];
	_ =	sdelay $0x3  }
0x37: {  	[smem:$0x3FB9] =	sst s10  }
0x38: {  	s10 =	sld [smem:$0x3FBA]  }
0x39: {  	_ = 	snop;
	(pc) =	sbr.ind lr, $3  }
0x3a: {  	_ = 	snop  }
0x3b: {  	_ = 	snop  }
0x3c: {  	p2 =	seq.s32 s10, $0x1;
	s10 =	sld [smem:$0x3FB9]  }
0x3d: {  	_ =	shalt  }
0x3e: {  	_ =	shalt  }
0x3f: {  	_ =	shalt  }
0x40: {  	_ =	shalt  }
0x41: {  	_ =	shalt  }
0x42: {  	_ =	shalt  }
0x43: {  	_ =	shalt  }
0x44: {  	_ =	shalt  }
0x45: {  	_ =	shalt  }
0x46: {  	_ =	shalt  }
0x47: {  	_ =	shalt  }
0x48: {  	_ =	shalt  }
0x49: {  	_ =	shalt  }
0x4a: {  	_ =	shalt  }
0x4b: {  	_ =	shalt  }
0x4c: {  	_ =	shalt  }
0x4d: {  	_ =	shalt  }
0x4e: {  	_ =	shalt  }
0x4f: {  	_ =	shalt  }
0x50: {  	_ =	shalt  }
0x51: {  	_ =	shalt  }
0x52: {  	_ =	shalt  }
0x53: {  	_ =	shalt  }
0x54: {  	_ =	shalt  }
0x55: {  	_ =	shalt  }
0x56: {  	_ =	shalt  }
0x57: {  	_ =	shalt  }
0x58: {  	_ =	shalt  }
0x59: {  	_ =	shalt  }
0x5a: {  	_ =	shalt  }
0x5b: {  	_ =	shalt  }
0x5c: {  	_ =	shalt  }
0x5d: {  	_ =	shalt  }
0x5e: {  	_ =	shalt  }
0x5f: {  	_ =	shalt  }
0x60: {  	_ =	shalt  }
0x61: {  	_ =	shalt  }
0x62: {  	_ =	shalt  }
0x63: {  	_ =	shalt  }
0x64: {  	_ =	shalt  }
0x65: {  	_ =	shalt  }
0x66: {  	_ =	shalt  }
0x67: {  	_ =	shalt  }
0x68: {  	_ =	shalt  }
0x69: {  	_ =	shalt  }
0x6a: {  	_ =	shalt  }
0x6b: {  	_ =	shalt  }
0x6c: {  	_ =	shalt  }
0x6d: {  	_ =	shalt  }
0x6e: {  	_ =	shalt  }
0x6f: {  	_ =	shalt  }
0x70: {  	_ =	shalt  }
0x71: {  	_ =	shalt  }
0x72: {  	_ =	shalt  }
0x73: {  	_ =	shalt  }
0x74: {  	_ =	shalt  }
0x75: {  	_ =	shalt  }
0x76: {  	_ =	shalt  }
0x77: {  	_ =	shalt  }
0x78: {  	_ =	shalt  }
0x79: {  	_ =	shalt  }
0x7a: {  	_ =	shalt  }
0x7b: {  	_ =	shalt  }
0x7c: {  	_ =	shalt  }
0x7d: {  	_ =	shalt  }
0x7e: {  	_ =	shalt  }
0x7f: {  	_ =	shalt  }
0x80: {  	_ =	shalt  }
0x81: {  	_ =	shalt  }
0x82: {  	_ =	shalt  }
0x83: {  	_ =	shalt  }
0x84: {  	_ =	shalt  }
0x85: {  	_ =	shalt  }
0x86: {  	_ =	shalt  }
0x87: {  	_ =	shalt  }
.Lfunc_end0:
.L_simem_size_0:
called_computation_lowered:
.L_overlay_start_0:
0x88: {  	s2 =	sld [smem:$0x3FD9]  }
0x89: {  	s3 =	sld [smem:$0x3FFE];
	_ =	sdelay $0x1  }
0x8a: {  	s1 =	srdreg.scid  }
0x8b: {  	s0 =	sand.u32 $0x1, s1  }
0x8c: {  	s18 =	sshll.u32 s0, $0xA;
	s2 =	sadd.s32 s3, s2  }
0x8d: {  	s2 =	sadd.s32 s2, s18  }
0x8e: {  	[smem:$0x3FC5] =	sst s2  }
0x8f: {  	_ = 	snop  }
0x90: {  	s2 =	sld [smem:$0x3FC9]  }
0x91: {  	s19 =	sld [smem:$0x3FC8]  }
0x92: {  	s4 =	sld [smem:$0x3FC7]  }
0x93: {  	s5 =	sld [smem:$0x3FD0];
	(tm) =	ssettm $0x1  }
0x94: {  	s6 =	sld [smem:$0x3FFB];
	_ =	sdelay $0x3  }
0x95: {  	_ =	strace s6  }
0x96: {  	s6 =	sld [smem:$0x3FFC];
	_ =	sdelay $0x3  }
0x97: {  	_ =	strace s6  }
0x98: {  	s6 =	sld [smem:$0x3FFD];
	_ =	sdelay $0x3  }
0x99: {  	_ =	strace s6  }
0x9a: {  	_ =	strace $0x8FFFFFFF  }
0x9b: {  	s20 =	sld [smem:$0x3FDB];
	_ =	sdelay $0x1  }
0x9c: {  	s7 =	simm.s32 $_scs_section_size  }
0x9d: {  	s8 =	simm.s32 $_size__tile_overlayer_lowered;
	s9 =	simm.s32 $_tile_overlayer_lowered  }
0x9e: {  	s23 =	simm.s32 $0x1BFF;
	s22 =	sshll.u32 s9, $0x1;
	s6 =	sadd.s32 s7, s20  }
0x9f: {  	s10 =	simm.s32 $0x0;
	s21 =	sshll.u32 s8, $0x1;
	s8 =	sadd.s32 s22, s6  }
0xa0: {  	[timem:s10], [sflag:s23] =	dma.local [hbm:s8], s21  }
0xa1: {  	_ =	swait.ge [sflag:s23], s21  }
0xa2: {  	s7 =	ssub.s32 $0x0, s21;
	[sflag:s23] =	ssyncset.done $0x0  }
0xa3: {  	[sflag:s23] =	ssyncadd.s32 s7;
	_ =	sdelay $0x1  }
0xa4: {  	s24 =	simm.s32 $0x1B8B  }
0xa5: {  	_ =	swait.ge [sflag:s24], $0x1  }
0xa6: {  	[sflag:s24] =	ssyncset.done $0x0  }
0xa7: {  	s25 =	simm.s32 $0x1B8E;
	[sflag:s24] =	ssyncadd.s32 $0xFFFFFFFF  }
0xa8: {  	s26 =	simm.s32 $execute0_lowered;
	[smem:$0x3FD2] =	sst s25  }
0xa9: {  	s7 =	sshll.u32 s26, $0x1;
	_ =	strace $0x80000046;
	[dreg:$0x1] =	wrdreg $0xFFFFFFFF  }
0xaa: {  	s28 =	simm.s32 $_size_execute0_lowered;
	s6 =	sadd.s32 s6, s7;
	[dreg:$0x0] =	wrdreg $0x0  }
0xab: {  	s7 =	sshll.u32 s28, $0x1;
	[dreg:$0x2] =	wrdreg s6  }
0xac: {  	[dreg:$0x3] =	wrdreg s7  }
0xad: {  	[dreg:$0x4] =	wrdreg $0xC0  }
0xae: {  	_ =	task [dreg:s10], $0x5FFFF  }
0xaf: {  	[dreg:$0x1] =	wrdreg $0xFFFFFFFF  }
0xb0: {  	[dreg:$0x0] =	wrdreg $0x60  }
0xb1: {  	[dreg:$0x2] =	wrdreg s2  }
0xb2: {  	[dreg:$0x3] =	wrdreg s19  }
0xb3: {  	[dreg:$0x4] =	wrdreg s4  }
0xb4: {  	[dreg:$0x5] =	wrdreg s5  }
0xb5: {  	[dreg:$0x6] =	wrdreg $0x9  }
0xb6: {  	_ =	task.clear_ibuf [dreg:s10], $0x7FFFF;
	_ =	strace $0x90000046  }
0xb7: {  	s29 =	simm.s32 $0x9;
	_ =	strace $0x80000048  }
0xb8: {  	_ =	swait.ge [sflag:s29], $0x1  }
0xb9: {  	[sflag:s29] =	ssyncadd.s32 $0xFFFFFFFF  }
0xba: {  	_ =	strace $0x90000048  }
0xbb: {  	_ =	sfence  }
0xbc: {  	s30 =	sld [smem:$0x0];
	_ =	sdelay $0x2  }
0xbd: {  	s31 =	sshll.u32 s1, $0xD;
	s1 =	sshrl.u32 s1, $0x2  }
0xbe: {  	s3 =	sand.u32 $0x4000, s31;
	s1 =	sadd.s32 s1, s30  }
0xbf: {  	s0 =	sor.u32 s3, s0;
	s1 =	sshll.u32 s1, $0x11  }
0xc0: {  	s0 =	sor.u32 s1, s0  }
0xc1: {  	s0 =	sadd.s32 $0x8F2B, s0  }
0xc2: {  	[sflag:s0] =	ssyncadd.remote.s32 $0x1  }
0xc3: {  	_ =	sfence.sel $0xFFFF  }
0xc4: {  	[dreg:$0x0] =	wrdreg $0xFFFFFFFF;
	(pc) =	sbr.abs _section_cstart, $3  }
0xc5: {  	[dreg:$0x1] =	wrdreg $0xFFFFFFFF  }
0xc6: {  	_ =	task.clear_ibuf [dreg:s10], $0x2FFFF;
	_ =	strace $0x9FFFFFFF  }
0xc7: {  	(tm) =	ssettm $0x7FFFFFFF  }
tec
execute0_lowered:
.L_overlay_start_1:
0x0: {  	(tag) =	ssettag $0x1  }
0x1: {  	s1 =	rddreg [dreg:$0x0]  }
0x2: {  	s2 =	rddreg [dreg:$0x1]  }
0x3: {  	s3 =	srdreg.scid;
	s4 =	rddreg [dreg:$0x2]  }
0x4: {  	s0 =	stileid.u32;
	s5 =	rddreg [dreg:$0x3]  }
0x5: {  	s7 =	simm.s32 $0x0;
	s15 =	simm.s32 $0x1C000;
	s8 =	sand.u32 $0x1, s3  }
0x6: {  	s16 =	simm.s32 $0x1;
	s31 =	sshll.u32 s0, $0x2;
	s6 =	sshll.u32 s8, $0x1  }
0x7: {  	s17 =	simm.s32 $0x2;
	s18 =	simm.s32 $0x3;
	s6 =	sor.u32 s6, s31  }
0x8: {  	s19 =	simm.s32 $0x1D000;
	s8 =	ssub.s32 $0x2, s8;
	s9 =	smul.u32 $0x6400, s6  }
0x9: {  	s20 =	simm.s32 $0x4;
	s11 =	sshrl.u32 s8, $0x1;
	s10 =	smul.u32 $0x2800, s6  }
0xa: {  	[smem:$0x7FF] =	sst s7;
	s12 =	smul.u32 $0x500, s6;
	s11 =	ssub.s32 s8, s11  }
0xb: {  	s21 =	simm.s32 $0x0;
	_ =	strace $0x80000047;
	s11 =	smax.u32 s11, $0x1  }
0xc: {  	s8 =	sadd.s32 s1, s9;
	s9 =	sadd.s32 s2, s10;
	s10 =	sadd.s32 s4, s12  }
.LBB2_1:
0xd: {  	s0 =	simm.s32 $0x800;
	s3 =	simm.s32 $0x2800  }
0xe: {  	[tilespmem:s7], [sflag:$0x1] =	stream.strided.gather [hbm4b:s8+s0], $0xA000, s3, s0, $0x38;
	[tilespmem:$0x1D800] =	vst v63  }
0xf: {  	s31 =	simm.s32 $0x14000  }
0x10: {  	[tilespmem:s31], [sflag:$0x2] =	stream.linear.gather [hbm4b:s9+s7], $0x4000, $0x38;
	[tilespmem:$0x1D800] =	vst v63  }
0x11: {  	s22 =	simm.s32 $0x0  }
0x12: {  	[tilespmem:s15], [sflag:$0x3] =	stream.linear.gather [hbm4b:s10+s7], $0x800, $0x38;
	[tilespmem:$0x1D800] =	vst v63  }
.LBB2_2:
0x13: {  	p0 =	seq.s32 s22, $0x9  }
0x14: {  	_ =	swait.ge [sflag:s16], $0xA000;
	s26 =	sand.u32 $0x1, s22;
	p1 =	sgt.u32 @!p0 s22, $0x3  }
0x15: {  	[sflag:s16] =	ssyncset.done $0x0;
	s23 =	simm.s32 @!p0 $0x1;
	p1 =	por !p1, p0  }
0x16: {  	s24 =	simm.s32 @!p0 $0x1;
	s23 =	simm.s32 @p1 $0x0;
	p1 =	slt.u32 @!p0 s22, $0x4  }
0x17: {  	s25 =	sxor.u32 @!p0 $0x1, s26;
	[sflag:s16] =	ssyncadd.s32 $0xFFFF6000;
	p1 =	por !p1, p0  }
0x18: {  	_ =	swait.ge [sflag:s17], $0x4000;
	s23 =	sor.u32 @!p0 s23, s6;
	s24 =	simm.s32 @p1 $0xFFFFFFFC  }
0x19: {  	[sflag:s17] =	ssyncset.done $0x0;
	s28 =	smul.u32 @!p0 $0x32000, s23;
	s24 =	sadd.s32 @!p0 s22, s24  }
0x1a: {  	s31 =	simm.s32 @!p0 $0x800;
	[sflag:s17] =	ssyncadd.s32 $0xFFFFC000;
	s29 =	sshll.u32 @!p0 s24, $0xB  }
0x1b: {  	s30 =	smul.u32 @!p0 $0x28000, s25;
	_ =	swait.ge [sflag:s18], $0x800;
	s28 =	sadd.s32 @!p0 s29, s28  }
0x1c: {  	s3 =	simm.s32 @!p0 $0x2800;
	[sflag:s18] =	ssyncset.done $0x0;
	s28 =	sshrl.u32 @!p0 s28, $0x3  }
0x1d: {  	s30 =	sshrl.u32 @!p0 s30, $0x2;
	[sflag:s18] =	ssyncadd.s32 $0xFFFFF800;
	s28 =	sadd.s32 @!p0 s1, s28  }
0x1e: {  	[tilespmem:s30], [sflag:$0x1] =	stream.strided.gather @!p0 [hbm4b:s28+s31], $0xA000, s3, s31, $0x38;
	[tilespmem:$0x1D800] =	vst v63  }
0x1f: {  	s3 =	smul.u32 @!p0 $0x14000, s23  }
0x20: {  	s24 =	sshll.u32 @!p0 s24, $0xE  }
0x21: {  	s3 =	sadd.s32 @!p0 s24, s3  }
0x22: {  	s28 =	simm.s32 @!p0 $0x0;
	s24 =	sshll.u32 @!p0 s25, $0xE;
	s3 =	sshrl.u32 @!p0 s3, $0x3  }
0x23: {  	s23 =	smul.u32 @!p0 $0x2800, s23;
	s24 =	sadd.s32 @!p0 $0x14000, s24;
	s3 =	sadd.s32 @!p0 s2, s3  }
0x24: {  	[tilespmem:s24], [sflag:$0x2] =	stream.linear.gather @!p0 [hbm4b:s3+s28], $0x4000, $0x38;
	[tilespmem:$0x1D800] =	vst v63  }
0x25: {  	s3 =	sadd.s32 @!p0 s29, s23  }
0x26: {  	s23 =	sshll.u32 @!p0 s25, $0xB;
	s3 =	sshrl.u32 @!p0 s3, $0x3  }
0x27: {  	s31 =	simm.s32 $0x0;
	s23 =	sor.u32 @!p0 $0x1C000, s23;
	s3 =	sadd.s32 @!p0 s4, s3  }
0x28: {  	[tilespmem:s23], [sflag:$0x3] =	stream.linear.gather @!p0 [hbm4b:s3+s28], $0x800, $0x38;
	[tilespmem:$0x1D800] =	vst v63  }
0x29: {  	s23 =	smul.u32 $0xCD, s31  }
0x2a: {  	s25 =	smul.u32 $0x28000, s26  }
0x2b: {  	s23 =	sshrl.u32 s23, $0xA  }
0x2c: {  	s25 =	sshrl.u32 s25, $0x2;
	s0 =	smul.u32 $0x5, s23  }
0x2d: {  	s3 =	sadd.s32 $0x7800, s25  }
0x2e: {  	[dreg:$0x15] =	wrdreg s3;
	s28 =	sand.u32 $0x3F, s23;
	s3 =	ssub.s32 $0x0, s0  }
0x2f: {  	s29 =	rddreg [dreg:$0x15];
	s24 =	sshll.u32 s28, $0x7;
	s3 =	sshll.u32 s3, $0x4  }
0x30: {  	s12 =	sadd.s32 s24, s29;
	s23 =	sand.u32 $0xF0, s3  }
0x31: {  	s3 =	sadd.s32 s23, s12  }
0x32: {  	s13 =	sadd.s32 $0x5000, s25;
	v0 =	vld [tilespmem:s3+$0x0]  }
0x33: {  	s14 =	sadd.s32 $0x9000, s25;
	[dreg:$0x10] =	wrdreg s13  }
0x34: {  	[dreg:$0x18] =	wrdreg s14;
	s29 =	sadd.s32 $0x2800, s25  }
0x35: {  	[dreg:$0xb] =	wrdreg s29  }
0x36: {  	s31 =	sadd.s32 $0x9800, s25;
	s29 =	rddreg [dreg:$0x10]  }
0x37: {  	[dreg:$0x19] =	wrdreg s31;
	s29 =	sadd.s32 s24, s29;
	v1 =	vand.u32 $0x7FFFFFFF, v0  }
0x38: {  	s0 =	rddreg [dreg:$0xb];
	s29 =	sadd.s32 s23, s29;
	v1 =	vsub.f32 $0.0e+00, v1  }
0x39: {  	s30 =	rddreg [dreg:$0x18];
	v8 =	vld [tilespmem:s29+$0x0];
	s3 =	sadd.s32 s24, s0  }
0x3a: {  	s30 =	sadd.s32 s24, s30;
	s29 =	rddreg [dreg:$0x19];
	s3 =	sadd.s32 s23, s3;
	v1 =	vmul.f32 $1.442695020e+00, v1  }
0x3b: {  	s12 =	sadd.s32 s23, s30;
	s29 =	sadd.s32 s24, s29;
	v7 =	vld [tilespmem:s3+$0x0]  }
0x3c: {  	v2 =	vld [tilespmem:s12+$0x0];
	s13 =	sadd.s32 s23, s29;
	(erf) = vpow2.f32 v1  }
0x3d: {  	v3 =	vld [tilespmem:s13+$0x0]  }
0x3e: {  	v1 =	vand.u32 $0x7FFFFFFF, v8  }
0x3f: {  	v1 =	vsub.f32 $0.0e+00, v1  }
0x40: {  	v4 =	vand.u32 $0x7FFFFFFF, v7  }
0x41: {  	v5 =	vand.u32 $0x7FFFFFFF, v2;
	v4 =	vsub.f32 $0.0e+00, v4;
	v1 =	vmul.f32 $1.442695020e+00, v1  }
0x42: {  	v5 =	vsub.f32 $0.0e+00, v5;
	v6 =	vand.u32 $0x7FFFFFFF, v3  }
0x43: {  	s14 =	sadd.s32 s24, s25;
	(erf) = vpow2.f32 v1;
	v1 =	vmul.f32 $1.442695020e+00, v4;
	v4 =	vsub.f32 $0.0e+00, v6  }
0x44: {  	s3 =	sadd.s32 s23, s14;
	v5 =	vmul.f32 $1.442695020e+00, v5  }
0x45: {  	v9 =	vld [tilespmem:s3+$0x0];
	v4 =	vmul.f32 $1.442695020e+00, v4;
	(erf) = vpow2.f32 v1;
	v10 =	vpop (erf)  }
0x46: {  	(erf) = vpow2.f32 v5;
	v6 =	vmul.f32 $6.834223120e-02, v10  }
0x47: {  	(erf) = vpow2.f32 v4  }
0x48: {  	v1 =	vsub.f32 $2.456068840e-01, v6;
	_ =	sdelay $0x1  }
0x49: {  	v4 =	vand.u32 $0x7FFFFFFF, v9;
	v1 =	vmul.f32 v1, v10  }
0x4a: {  	s31 =	sadd.s32 $0x6800, s25;
	v4 =	vsub.f32 $0.0e+00, v4  }
0x4b: {  	[dreg:$0x13] =	wrdreg s31;
	v5 =	vmul.f32 v10, v10;
	v1 =	vadd.f32 $-4.842381180e-01, v1  }
0x4c: {  	s29 =	sadd.s32 $0x7000, s25;
	s3 =	rddreg [dreg:$0x13];
	v4 =	vmul.f32 $1.442695020e+00, v4;
	v11 =	vpop (erf)  }
0x4d: {  	[dreg:$0x14] =	wrdreg s29;
	s3 =	sadd.s32 s24, s3;
	v6 =	vmul.f32 $6.834223120e-02, v11;
	v12 =	vpop (erf);
	v1 =	vmul.f32 v1, v5  }
0x4e: {  	s29 =	rddreg [dreg:$0x14];
	s3 =	sadd.s32 s23, s3;
	v13 =	vpop (erf)  }
0x4f: {  	s0 =	sadd.s32 s24, s29;
	(erf) = vpow2.f32 v4;
	v5 =	vsub.f32 $2.456068840e-01, v6;
	v6 =	vld [tilespmem:s3+$0x0];
	v14 =	vpop (erf);
	v1 =	vadd.f32 v1, v10  }
0x50: {  	v4 =	vmax.f32 v0, $0.0e+00;
	s3 =	sadd.s32 s23, s0;
	v16 =	vmul.f32 $6.834223120e-02, v14;
	v10 =	vmul.f32 $6.834223120e-02, v13  }
0x51: {  	v15 =	vmul.f32 $6.834223120e-02, v12;
	v5 =	vmul.f32 v5, v11;
	v53 =	vadd.f32 v1, v4;
	v4 =	vld [tilespmem:s3+$0x0]  }
0x52: {  	v17 =	vmul.f32 v11, v11;
	v16 =	vsub.f32 $2.456068840e-01, v16;
	v10 =	vsub.f32 $2.456068840e-01, v10  }
0x53: {  	v19 =	vmul.f32 v13, v13;
	v15 =	vsub.f32 $2.456068840e-01, v15;
	v5 =	vadd.f32 $-4.842381180e-01, v5  }
0x54: {  	v18 =	vand.u32 $0x7FFFFFFF, v6;
	v16 =	vmul.f32 v16, v14;
	v10 =	vmul.f32 v10, v13  }
0x55: {  	s12 =	sor.u32 $0x1800, s25;
	v20 =	vmul.f32 v14, v14;
	v5 =	vmul.f32 v5, v17;
	v17 =	vsub.f32 $0.0e+00, v18  }
0x56: {  	[dreg:$0x9] =	wrdreg s12;
	v16 =	vadd.f32 $-4.842381180e-01, v16;
	v18 =	vadd.f32 $-4.842381180e-01, v10;
	v21 =	vand.u32 $0x7FFFFFFF, v4  }
0x57: {  	s14 =	rddreg [dreg:$0x9];
	s13 =	sadd.s32 $0x2000, s25;
	v15 =	vmul.f32 v15, v12;
	v17 =	vmul.f32 $1.442695020e+00, v17;
	v21 =	vsub.f32 $0.0e+00, v21  }
0x58: {  	[dreg:$0xa] =	wrdreg s13;
	s3 =	sadd.s32 s24, s14;
	v5 =	vadd.f32 v5, v11;
	v11 =	vmul.f32 v16, v20;
	v18 =	vmul.f32 v18, v19  }
0x59: {  	s29 =	rddreg [dreg:$0xa];
	s3 =	sadd.s32 s23, s3;
	v10 =	vpop (erf);
	(erf) = vpow2.f32 v17;
	v19 =	vmul.f32 $1.442695020e+00, v21  }
0x5a: {  	v2 =	vmax.f32 v2, $0.0e+00;
	s29 =	sadd.s32 s24, s29;
	v16 =	vld [tilespmem:s3+$0x0];
	v22 =	vmul.f32 $6.834223120e-02, v10  }
0x5b: {  	s31 =	sadd.s32 s23, s29;
	v15 =	vadd.f32 $-4.842381180e-01, v15;
	v11 =	vadd.f32 v11, v14;
	(erf) = vpow2.f32 v19  }
0x5c: {  	v3 =	vmax.f32 v3, $0.0e+00;
	v14 =	vld [tilespmem:s31+$0x0];
	v13 =	vadd.f32 v18, v13;
	v17 =	vsub.f32 $2.456068840e-01, v22  }
0x5d: {  	v20 =	vmax.f32 v8, $0.0e+00;
	v18 =	vmul.f32 v12, v12;
	v3 =	vadd.f32 v11, v3  }
0x5e: {  	v54 =	vadd.f32 v5, v20;
	v13 =	vadd.f32 v13, v2;
	v11 =	vmul.f32 v17, v10  }
0x5f: {  	v5 =	vmul.f32 v15, v18;
	v18 =	vadd.f32 $9.999999740e-05, v3;
	v3 =	vand.u32 $0x7FFFFFFF, v16  }
0x60: {  	v15 =	vadd.f32 $9.999999740e-05, v13;
	v13 =	vmul.f32 v10, v10;
	v11 =	vadd.f32 $-4.842381180e-01, v11  }
0x61: {  	v3 =	vsub.f32 $0.0e+00, v3;
	v19 =	vand.u32 $0x7FFFFFFF, v14  }
0x62: {  	s12 =	sadd.s32 $0x4800, s25;
	v19 =	vsub.f32 $0.0e+00, v19;
	v20 =	vmul.f32 v18, v15;
	v13 =	vmul.f32 v11, v13;
	v21 =	vpop (erf)  }
0x63: {  	[dreg:$0xf] =	wrdreg s12;
	s0 =	sadd.s32 $0x4000, s25;
	v5 =	vadd.f32 v5, v12;
	v11 =	vmul.f32 $1.442695020e+00, v3;
	v3 =	vmul.f32 $6.834223120e-02, v21  }
0x64: {  	[dreg:$0xe] =	wrdreg s0;
	(erf) = vrcp.f32 v15;
	v19 =	vmul.f32 $1.442695020e+00, v19;
	v12 =	vand.u32 $0x7FFFFF, v20;
	v22 =	vpop (erf)  }
0x65: {  	s13 =	rddreg [dreg:$0xe];
	v12 =	vor.u32 $0x3F800000, v12;
	v15 =	vsub.f32 $2.456068840e-01, v3;
	v23 =	vmul.f32 $6.834223120e-02, v22  }
0x66: {  	s29 =	rddreg [dreg:$0xf];
	s3 =	sadd.s32 s24, s13;
	(erf) = vpow2.f32 v11;
	v3 =	vadd.f32 $-1.000000000e+00, v12;
	v12 =	vshra.s32 v20, $0x17  }
0x67: {  	s29 =	sadd.s32 s24, s29;
	s3 =	sadd.s32 s23, s3;
	(erf) = vpow2.f32 v19;
	v15 =	vmul.f32 v15, v21;
	v23 =	vsub.f32 $2.456068840e-01, v23  }
0x68: {  	s14 =	sadd.s32 s23, s29;
	v17 =	vmax.f32 v7, $0.0e+00;
	v11 =	vld [tilespmem:s3+$0x0];
	v19 =	vadd.s32 $0xFFFFFF81, v12;
	(erf) = vrcp.f32 v18  }
0x69: {  	v12 =	vld [tilespmem:s14+$0x0];
	v18 =	vadd.f32 $-4.842381180e-01, v15;
	v15 =	vadd.f32 v5, v17;
	v5 =	vmul.f32 v23, v22  }
0x6a: {  	v20 =	vmul.f32 $6.834223120e-02, v3  }
0x6b: {  	v24 =	vmul.f32 v21, v21;
	v19 =	vcvt.s32.f32 v19;
	v25 =	vadd.f32 $-4.842381180e-01, v5  }
0x6c: {  	v26 =	vmul.f32 v22, v22;
	v20 =	vsub.f32 $2.456068840e-01, v20;
	v17 =	vmul.f32 v3, v3  }
0x6d: {  	v2 =	vmul.f32 $6.931471820e-01, v19;
	v18 =	vmul.f32 v18, v24;
	v24 =	vand.u32 $0x7FFFFFFF, v11  }
0x6e: {  	s0 =	sor.u32 $0x1000, s25;
	v20 =	vmul.f32 v20, v3;
	v27 =	vand.u32 $0x7FFFFFFF, v12;
	v24 =	vsub.f32 $0.0e+00, v24;
	v5 =	vpop (erf)  }
0x6f: {  	[dreg:$0x8] =	wrdreg s0;
	s0 =	sadd.s32 $0x8000, s25;
	v27 =	vsub.f32 $0.0e+00, v27;
	v18 =	vadd.f32 v18, v21;
	v21 =	vmul.f32 v25, v26;
	v25 =	vpop (erf)  }
0x70: {  	[dreg:$0x16] =	wrdreg s0;
	v6 =	vmax.f32 v6, $0.0e+00;
	v24 =	vmul.f32 $1.442695020e+00, v24;
	v26 =	vmul.f32 $6.834223120e-02, v25;
	v28 =	vpop (erf)  }
0x71: {  	s29 =	rddreg [dreg:$0x16];
	v4 =	vmax.f32 v4, $0.0e+00;
	v27 =	vmul.f32 $1.442695020e+00, v27;
	v29 =	vmul.f32 $6.834223120e-02, v28  }
0x72: {  	s29 =	sadd.s32 s24, s29;
	v6 =	vadd.f32 v18, v6;
	(erf) = vpow2.f32 v24;
	v18 =	vsub.f32 $2.456068840e-01, v26  }
0x73: {  	s12 =	sadd.s32 $0x3000, s25;
	s29 =	sadd.s32 s23, s29;
	v21 =	vadd.f32 v21, v22;
	(erf) = vpow2.f32 v27;
	v22 =	vsub.f32 $2.456068840e-01, v29  }
0x74: {  	[dreg:$0xc] =	wrdreg s12;
	s12 =	sadd.s32 $0x8800, s25;
	v23 =	vadd.f32 $0.0e+00, v9;
	v20 =	vadd.f32 $-4.842381180e-01, v20;
	v26 =	vld [tilespmem:s29+$0x0];
	v18 =	vmul.f32 v18, v25  }
0x75: {  	[dreg:$0x17] =	wrdreg s12;
	s13 =	sadd.s32 $0x3800, s25;
	v21 =	vadd.f32 v21, v4;
	v19 =	vmul.f32 v22, v28;
	v22 =	vadd.f32 $9.999999740e-05, v6  }
0x76: {  	[dreg:$0xd] =	wrdreg s13;
	v6 =	vmul.f32 v20, v17;
	v17 =	vadd.f32 $-4.842381180e-01, v18;
	v18 =	vmul.f32 v25, v25  }
0x77: {  	s13 =	rddreg [dreg:$0x8];
	s31 =	sor.u32 $0x800, s25;
	v20 =	vadd.f32 $9.999999740e-05, v21;
	v21 =	vmul.f32 v28, v28;
	v19 =	vadd.f32 $-4.842381180e-01, v19  }
0x78: {  	[dreg:$0x7] =	wrdreg s31;
	v16 =	vmax.f32 v16, $0.0e+00;
	v14 =	vmax.f32 v14, $0.0e+00;
	v17 =	vmul.f32 v17, v18  }
0x79: {  	s31 =	sadd.s32 $0x6000, s25;
	s3 =	rddreg [dreg:$0x17];
	v10 =	vadd.f32 v13, v10;
	v26 =	vsub.f32 $0.0e+00, v26;
	v19 =	vmul.f32 v19, v21  }
0x7a: {  	[dreg:$0x12] =	wrdreg s31;
	s3 =	sadd.s32 s24, s3;
	(erf) = vrcp.f32 v22;
	v21 =	vadd.f32 v7, v23;
	v7 =	vpop (erf);
	v17 =	vadd.f32 v17, v25  }
0x7b: {  	s30 =	rddreg [dreg:$0x12];
	s14 =	sadd.s32 $0x5800, s25;
	s3 =	sadd.s32 s23, s3;
	v18 =	vmax.f32 v9, $0.0e+00;
	v9 =	vmul.f32 v20, v22;
	v23 =	vpop (erf);
	v19 =	vadd.f32 v19, v28  }
0x7c: {  	[dreg:$0x11] =	wrdreg s14;
	s14 =	sadd.s32 s24, s13;
	(erf) = vrcp.f32 v20;
	v25 =	vld [tilespmem:s3+$0x0];
	v22 =	vmul.f32 $6.834223120e-02, v23;
	v24 =	vpop (erf);
	v16 =	vadd.f32 v17, v16  }
0x7d: {  	s12 =	rddreg [dreg:$0x7];
	s30 =	sadd.s32 s24, s30;
	v26 =	vmul.f32 $1.442695020e+00, v26;
	s3 =	sadd.s32 s23, s14;
	v14 =	vadd.f32 v19, v14;
	v19 =	vmul.f32 $6.834223120e-02, v24  }
0x7e: {  	s30 =	sadd.s32 s23, s30;
	s13 =	rddreg [dreg:$0xd];
	v20 =	vshra.s32 v9, $0x17;
	v27 =	vld [tilespmem:s3+$0x0];
	v17 =	vadd.f32 $9.999999740e-05, v16;
	v16 =	vsub.f32 $2.456068840e-01, v22  }
0x7f: {  	s12 =	sadd.s32 s24, s12;
	s0 =	rddreg [dreg:$0x11];
	s31 =	sadd.s32 s24, s13;
	v9 =	vand.u32 $0x7FFFFF, v9;
	v22 =	vadd.f32 $9.999999740e-05, v14;
	v14 =	vsub.f32 $2.456068840e-01, v19;
	v19 =	vld [tilespmem:s30+$0x0]  }
0x80: {  	s0 =	sadd.s32 s24, s0;
	v18 =	vadd.f32 v10, v18;
	s14 =	sadd.s32 s23, s12;
	s12 =	sadd.s32 s23, s31;
	v9 =	vor.u32 $0x3F800000, v9;
	v20 =	vadd.s32 $0xFFFFFF81, v20  }
0x81: {  	s0 =	sadd.s32 s23, s0;
	v8 =	vadd.f32 v8, v21;
	v30 =	vmul.f32 v23, v23;
	v31 =	vld [tilespmem:s12+$0x0];
	v25 =	vsub.f32 $0.0e+00, v25  }
0x82: {  	v9 =	vadd.f32 $-1.000000000e+00, v9;
	v20 =	vcvt.s32.f32 v20;
	v13 =	vmul.f32 v14, v24;
	v14 =	vld [tilespmem:s0+$0x0]  }
0x83: {  	s29 =	rddreg [dreg:$0xc];
	v29 =	vld [tilespmem:s14+$0x0];
	v16 =	vmul.f32 v16, v23;
	v27 =	vsub.f32 $0.0e+00, v27;
	v25 =	vmul.f32 $1.442695020e+00, v25  }
0x84: {  	s3 =	sadd.s32 s24, s29;
	v32 =	vmul.f32 v24, v24;
	v21 =	vmul.f32 $6.834223120e-02, v9;
	v19 =	vsub.f32 $0.0e+00, v19  }
0x85: {  	s0 =	sadd.s32 s23, s3;
	v16 =	vadd.f32 $-4.842381180e-01, v16;
	v27 =	vmul.f32 $1.442695020e+00, v27;
	(erf) = vpow2.f32 v25  }
0x86: {  	v33 =	vld [tilespmem:s0+$0x0];
	(erf) = vpow2.f32 v26;
	v26 =	vsub.f32 $0.0e+00, v31;
	v19 =	vmul.f32 $1.442695020e+00, v19  }
0x87: {  	v13 =	vadd.f32 $-4.842381180e-01, v13;
	v16 =	vmul.f32 v16, v30;
	v14 =	vsub.f32 $0.0e+00, v14  }
0x88: {  	v25 =	vsub.f32 $0.0e+00, v29;
	v10 =	vmul.f32 $1.442695020e+00, v26;
	(erf) = vpow2.f32 v19  }
0x89: {  	v11 =	vmax.f32 v11, $0.0e+00;
	v14 =	vmul.f32 $1.442695020e+00, v14;
	(erf) = vpow2.f32 v27  }
0x8a: {  	v13 =	vmul.f32 v13, v32;
	v16 =	vadd.f32 v16, v23;
	v19 =	vmul.f32 $1.442695020e+00, v25  }
0x8b: {  	v28 =	vmul.f32 v22, v17;
	v25 =	vsub.f32 $0.0e+00, v33;
	(erf) = vpow2.f32 v14  }
0x8c: {  	v13 =	vadd.f32 v13, v24;
	v16 =	vadd.f32 v16, v11;
	(erf) = vpow2.f32 v19  }
0x8d: {  	v11 =	vmax.f32 v12, $0.0e+00;
	v14 =	vmul.f32 $1.442695020e+00, v25;
	(erf) = vpow2.f32 v10;
	v10 =	vpop (erf)  }
0x8e: {  	v55 =	vmul.f32 $6.931471820e-01, v20;
	v13 =	vadd.f32 v13, v11;
	v25 =	vadd.f32 $9.999999740e-05, v16;
	v12 =	vpop (erf)  }
0x8f: {  	v16 =	vsub.f32 $2.456068840e-01, v21;
	(erf) = vpow2.f32 v14;
	v14 =	vand.u32 $0x7FFFFF, v28;
	v20 =	vpop (erf)  }
0x90: {  	v24 =	vadd.f32 $9.999999740e-05, v13;
	v14 =	vor.u32 $0x3F800000, v14;
	v20 =	vadd.f32 $1.000000000e+00, v20;
	v21 =	vpop (erf)  }
0x91: {  	v13 =	vadd.f32 $-1.000000000e+00, v14;
	v14 =	vadd.f32 $1.000000000e+00, v21;
	v21 =	vpop (erf)  }
0x92: {  	v16 =	vmul.f32 v16, v9;
	v26 =	vpop (erf)  }
0x93: {  	v23 =	vmul.f32 v24, v25;
	(erf) = vrcp.f32 v20;
	v20 =	vadd.f32 $1.000000000e+00, v26  }
0x94: {  	v19 =	vmul.f32 v9, v9;
	v16 =	vadd.f32 $-4.842381180e-01, v16;
	v21 =	vadd.f32 $1.000000000e+00, v21  }
0x95: {  	(erf) = vrcp.f32 v14;
	v14 =	vand.u32 $0x7FFFFF, v23;
	v26 =	vmul.f32 $6.834223120e-02, v13;
	v27 =	vpop (erf)  }
0x96: {  	v14 =	vor.u32 $0x3F800000, v14;
	v27 =	vadd.f32 $1.000000000e+00, v27;
	v29 =	vpop (erf);
	(erf) = vrcp.f32 v21  }
0x97: {  	v14 =	vadd.f32 $-1.000000000e+00, v14;
	v21 =	vadd.f32 $1.000000000e+00, v29;
	(erf) = vrcp.f32 v20;
	v20 =	vpop (erf)  }
0x98: {  	v4 =	vmul.f32 v16, v19;
	(erf) = vrcp.f32 v27;
	v20 =	vadd.f32 $1.000000000e+00, v20  }
0x99: {  	s13 =	sshll.u32 s26, $0xE;
	(erf) = vrcp.f32 v21;
	v21 =	vsub.f32 $2.456068840e-01, v26;
	v26 =	vmul.f32 $6.834223120e-02, v14;
	v29 =	vpop (erf)  }
0x9a: {  	s0 =	sadd.s32 $0x14000, s13;
	v27 =	vadd.f32 $1.000000000e+00, v29;
	(erf) = vrcp.f32 v20;
	v20 =	vshra.s32 v28, $0x17  }
0x9b: {  	p0 =	sgt.u32 s22, $0x4;
	[dreg:$0x6] =	wrdreg s0;
	v19 =	vadd.s32 $0xFFFFFF81, v20;
	v20 =	vmul.f32 v21, v13;
	v21 =	vsub.f32 $2.456068840e-01, v26  }
0x9c: {  	s14 =	sshll.u32 s28, $0xA;
	s12 =	sshll.u32 s22, $0xB;
	s0 =	rddreg [dreg:$0x6]  }
0x9d: {  	s29 =	sshll.u32 s26, $0xB;
	s26 =	sadd.s32 $0xFFFFD800, s12;
	s0 =	sadd.s32 s14, s0;
	v29 =	vadd.f32 $0.0e+00, v18;
	(erf) = vrcp.f32 v27  }
0x9e: {  	s31 =	sor.u32 $0x1C000, s29;
	s3 =	simm.s32 $0x1;
	s30 =	sadd.s32 s23, s0;
	v27 =	vmul.f32 v13, v13;
	v30 =	vcvt.s32.f32 v19;
	v19 =	vpop (erf)  }
0x9f: {  	s29 =	simm.s32 $0x1;
	s3 =	simm.s32 @!p0 $0x0;
	p0 =	slt.u32 s22, $0x5;
	v18 =	vld [tilespmem:s30+$0x380];
	v11 =	vadd.f32 v15, v29;
	(erf) = vrcp.f32 v17;
	v28 =	vmul.f32 v21, v14;
	v21 =	vpop (erf)  }
0xa0: {  	[dreg:$0x5] =	wrdreg s31;
	s28 =	sor.u32 s3, s6;
	s26 =	smov.u32 @p0 s12;
	v26 =	vadd.f32 $-4.842381180e-01, v20;
	v20 =	vld [tilespmem:s30+$0x300];
	v16 =	vmul.f32 $6.931471820e-01, v30;
	(erf) = vrcp.f32 v22;
	v22 =	vpop (erf)  }
.LBB2_3:
0xa1: {  	_ = 	snop  }
0xa2: {  	v31 =	vld [tilespmem:s30+$0x280]  }
0xa3: {  	v35 =	vld [tilespmem:s30+$0x200];
	v3 =	vadd.f32 v6, v3  }
0xa4: {  	v1 =	vmul.f32 v26, v27;
	v37 =	vadd.f32 $-4.842381180e-01, v28;
	v27 =	vpop (erf);
	v29 =	vsub.f32 v19, v18  }
0xa5: {  	v49 =	vld [tilespmem:s30+$0x100];
	(erf) = vrcp.f32 v25;
	v25 =	vpop (erf);
	v30 =	vsub.f32 v27, v18;
	v32 =	vsub.f32 v22, v18  }
0xa6: {  	v41 =	vshra.s32 v23, $0x17;
	v33 =	vsub.f32 v25, v20;
	v34 =	vsub.f32 v21, v20;
	v28 =	vpop (erf)  }
0xa7: {  	v41 =	vadd.s32 $0xFFFFFF81, v41;
	v36 =	vsub.f32 v28, v20;
	v15 =	vsub.f32 v27, v31  }
0xa8: {  	(erf) = vrcp.f32 v24;
	v56 =	vsub.f32 v22, v31;
	v45 =	vsub.f32 v21, v35  }
0xa9: {  	v26 =	vmovc v0;
	v47 =	vsub.f32 v28, v35;
	v48 =	vsub.f32 v25, v35;
	v32 =	vmul.f32 v32, v32  }
0xaa: {  	v24 =	vpop (erf);
	v61 =	vsub.f32 v21, v49;
	v38 =	vmul.f32 v29, v29;
	v33 =	vmul.f32 v33, v33  }
0xab: {  	[tilespmem:$0x1FFF0] =	vst v1;
	v39 =	vsub.f32 v24, v18;
	v34 =	vmul.f32 v34, v34;
	v1 =	vmul.f32 v30, v30  }
0xac: {  	v44 =	vsub.f32 v24, v31;
	v36 =	vmul.f32 v36, v36;
	v50 =	vmul.f32 v15, v15;
	v29 =	vpop (erf)  }
0xad: {  	v0 =	vmovc v55;
	v55 =	vld [tilespmem:s30+$0x0];
	v45 =	vmul.f32 v45, v45;
	v47 =	vmul.f32 v47, v47;
	v40 =	vsub.f32 v29, v20  }
0xae: {  	v57 =	vmul.f32 v48, v48;
	v43 =	vadd.f32 v1, v36;
	v1 =	vsub.f32 v19, v31  }
0xaf: {  	v42 =	vadd.f32 v32, v33;
	v62 =	vmul.f32 v39, v39;
	v51 =	vsub.f32 v29, v35  }
0xb0: {  	v38 =	vadd.f32 v38, v34;
	v63 =	vmul.f32 v40, v40;
	v46 =	vmul.f32 v1, v1  }
0xb1: {  	v36 =	vld [tilespmem:s30+$0x180];
	v40 =	vmul.f32 v56, v56;
	v58 =	vmul.f32 v51, v51;
	v56 =	vsub.f32 v28, v49  }
0xb2: {  	v51 =	vmul.f32 v61, v61;
	v61 =	vsub.f32 v25, v55;
	v1 =	vsub.f32 v29, v55  }
0xb3: {  	v44 =	vmul.f32 v44, v44;
	v39 =	vadd.f32 v62, v63;
	v45 =	vadd.f32 v46, v45  }
0xb4: {  	v48 =	vmul.f32 v14, v14;
	v46 =	vadd.f32 v50, v47;
	v40 =	vadd.f32 v40, v57  }
0xb5: {  	v33 =	vcvt.s32.f32 v41;
	v44 =	vadd.f32 v44, v58;
	v47 =	vld [tilespmem:s30+$0x80];
	v63 =	vsub.f32 v25, v49  }
0xb6: {  	v57 =	vsub.f32 v29, v49;
	v1 =	vmul.f32 v1, v1;
	v59 =	vsub.f32 v19, v36  }
0xb7: {  	v15 =	vmovc v54;
	v60 =	vsub.f32 v22, v36;
	v62 =	vsub.f32 v24, v36;
	v54 =	vmul.f32 v63, v63  }
0xb8: {  	v17 =	vmovc v8;
	v52 =	vsub.f32 v27, v36;
	v57 =	vmul.f32 v57, v57;
	v41 =	vmul.f32 v59, v59  }
0xb9: {  	v8 =	vmovc v53;
	s0 =	rddreg [dreg:$0x5];
	v63 =	vsub.f32 v28, v55;
	v53 =	vmul.f32 v62, v62;
	v62 =	vsub.f32 v21, v55  }
0xba: {  	s0 =	sadd.s32 s24, s0;
	v50 =	vmul.f32 v60, v60;
	v41 =	vadd.f32 v41, v51;
	v60 =	vsub.f32 v22, v47  }
0xbb: {  	s0 =	sadd.s32 s23, s0;
	v52 =	vmul.f32 v52, v52;
	v58 =	vsub.f32 v19, v47;
	v59 =	vsub.f32 v27, v47  }
0xbc: {  	v51 =	vmul.f32 v56, v56;
	v50 =	vadd.f32 v50, v54;
	v56 =	vmul.f32 v60, v60;
	v60 =	vld [tilespmem:s0+$0x0]  }
0xbd: {  	v54 =	vsub.f32 v24, v47;
	v58 =	vmul.f32 v58, v58;
	v59 =	vmul.f32 v59, v59  }
0xbe: {  	v51 =	vadd.f32 v52, v51;
	v52 =	vmul.f32 v61, v61;
	v61 =	vmul.f32 v62, v62  }
0xbf: {  	v53 =	vadd.f32 v53, v57;
	v54 =	vmul.f32 v54, v54;
	v62 =	vmul.f32 v63, v63  }
0xc0: {  	v37 =	vmul.f32 v37, v48;
	v48 =	vadd.f32 v56, v52;
	v61 =	vadd.f32 v58, v61  }
0xc1: {  	v63 =	vadd.f32 v59, v62;
	v1 =	vadd.f32 v54, v1;
	vm1 =	vgt.s32 v60, $0x3  }
0xc2: {  	vm0 =	vgt.s32 v60, $0x0;
	vm2 =	vgt.s32 v60, $0x1;
	vm3 =	vgt.s32 v60, $0x2  }
0xc3: {  	v42 =	vnsel vm1, $0x4E6E6B28, v42;
	v45 =	vnsel vm3, $0x4E6E6B28, v45;
	v38 =	vnsel vm1, $0x4E6E6B28, v38  }
0xc4: {  	v43 =	vnsel vm1, $0x4E6E6B28, v43;
	v39 =	vnsel vm1, $0x4E6E6B28, v39;
	v40 =	vnsel vm3, $0x4E6E6B28, v40  }
0xc5: {  	v46 =	vnsel vm3, $0x4E6E6B28, v46;
	v52 =	vnsel vm0, $0x4E6E6B28, v61;
	v41 =	vnsel vm2, $0x4E6E6B28, v41  }
0xc6: {  	v44 =	vnsel vm3, $0x4E6E6B28, v44;
	v48 =	vnsel vm0, $0x4E6E6B28, v48;
	v50 =	vnsel vm2, $0x4E6E6B28, v50  }
0xc7: {  	v54 =	vnsel vm0, $0x4E6E6B28, v63;
	v51 =	vnsel vm2, $0x4E6E6B28, v51;
	v1 =	vnsel vm0, $0x4E6E6B28, v1  }
0xc8: {  	v53 =	vnsel vm2, $0x4E6E6B28, v53;
	vm13 =	vlt.f32 v50, v48;
	vm14 =	vlt.f32 v41, v52  }
0xc9: {  	vm15 =	vlt.f32 v51, v54;
	vm4 =	vlt.f32 v53, v1;
	v56 =	vsel vm14, v49, v55  }
0xca: {  	v57 =	vsel vm13, v49, v55;
	v58 =	vsel vm13, v36, v47;
	v59 =	vsel vm14, v36, v47  }
0xcb: {  	v60 =	vsel vm15, v49, v55;
	v61 =	vsel vm15, v36, v47;
	v41 =	vsel vm14, v41, v52  }
0xcc: {  	v49 =	vsel vm4, v49, v55;
	v36 =	vsel vm4, v36, v47;
	v55 =	vsel vm13, v50, v48  }
0xcd: {  	v48 =	vsel vm15, v51, v54;
	v1 =	vsel vm4, v53, v1;
	vm8 =	vlt.f32 v45, v41  }
0xce: {  	vm9 =	vlt.f32 v46, v48;
	vm10 =	vlt.f32 v44, v1;
	vm11 =	vlt.f32 v40, v55  }
0xcf: {  	v41 =	vsel vm8, v45, v41;
	v45 =	vsel vm8, v35, v56;
	v50 =	vsel vm8, v31, v59  }
0xd0: {  	v40 =	vsel vm11, v40, v55;
	v59 =	vsel vm11, v35, v57;
	v62 =	vsel vm11, v31, v58  }
0xd1: {  	v63 =	vsel vm9, v35, v60;
	v56 =	vsel vm9, v31, v61;
	v35 =	vsel vm10, v35, v49  }
0xd2: {  	v46 =	vsel vm9, v46, v48;
	v1 =	vsel vm10, v44, v1;
	v31 =	vsel vm10, v31, v36  }
0xd3: {  	vm12 =	vlt.f32 v43, v46;
	vm13 =	vlt.f32 v42, v40;
	vm14 =	vlt.f32 v38, v41  }
0xd4: {  	vm15 =	vlt.f32 v39, v1;
	v1 =	vsel vm14, v20, v45;
	v57 =	vsel vm14, v18, v50  }
0xd5: {  	v58 =	vsel vm12, v20, v63;
	v59 =	vsel vm13, v20, v59;
	v40 =	vsel vm13, v18, v62  }
0xd6: {  	v60 =	vsel vm12, v18, v56;
	v1 =	vsub.f32 v1, v21;
	v19 =	vsub.f32 v57, v19  }
0xd7: {  	v6 =	vld [tilespmem:$0x1FFF0];
	v20 =	vsel vm15, v20, v35;
	v21 =	vsub.f32 v59, v25;
	v22 =	vsub.f32 v40, v22  }
0xd8: {  	v23 =	vpop (erf);
	v18 =	vsel vm15, v18, v31;
	v25 =	vsub.f32 v58, v28;
	v27 =	vsub.f32 v60, v27  }
0xd9: {  	v30 =	vpop (erf);
	v20 =	vsub.f32 v20, v29;
	v1 =	vmul.f32 v1, v5;
	v5 =	vmul.f32 v19, v7  }
0xda: {  	v32 =	vpop (erf);
	v7 =	vsub.f32 v18, v24;
	v10 =	vmul.f32 v21, v10;
	v12 =	vmul.f32 v22, v12  }
0xdb: {  	v34 =	vpop (erf);
	v18 =	vmul.f32 v25, v23;
	v19 =	vmul.f32 v27, v30  }
0xdc: {  	v6 =	vadd.f32 v6, v13;
	v13 =	vmul.f32 v20, v32;
	v7 =	vmul.f32 v7, v34  }
0xdd: {  	v9 =	vadd.f32 v4, v9;
	v18 =	vmul.f32 v18, v18;
	v19 =	vmul.f32 v19, v19  }
0xde: {  	v6 =	vadd.f32 v6, v16;
	v13 =	vmul.f32 v13, v13;
	v7 =	vmul.f32 v7, v7  }
0xdf: {  	v14 =	vadd.f32 v37, v14;
	v10 =	vmul.f32 v10, v10;
	v12 =	vmul.f32 v12, v12  }
0xe0: {  	v16 =	vadd.f32 v19, v18;
	v7 =	vadd.f32 v7, v13;
	v13 =	vmul.f32 $6.931471820e-01, v33  }
0xe1: {  	v1 =	vmul.f32 v1, v1;
	v5 =	vmul.f32 v5, v5;
	v10 =	vadd.f32 v12, v10  }
0xe2: {  	v12 =	vmul.f32 $5.000000000e-01, v16;
	v7 =	vmul.f32 $5.000000000e-01, v7;
	v13 =	vadd.f32 v14, v13  }
0xe3: {  	v9 =	vadd.f32 v9, v0;
	v1 =	vadd.f32 v5, v1;
	v10 =	vmul.f32 $5.000000000e-01, v10  }
0xe4: {  	v5 =	vadd.f32 v6, v12;
	v6 =	vadd.f32 v13, v7  }
0xe5: {  	v3 =	vadd.f32 v3, v2;
	v1 =	vmul.f32 $5.000000000e-01, v1;
	v7 =	vadd.f32 v9, v10  }
0xe6: {  	v4 =	vadd.f32 $1.837877040e+00, v5;
	v5 =	vadd.f32 $1.837877040e+00, v6  }
0xe7: {  	v2 =	vadd.f32 v15, v11;
	v1 =	vadd.f32 v3, v1  }
0xe8: {  	v3 =	vadd.f32 v5, v4;
	v4 =	vadd.f32 $1.837877040e+00, v7  }
0xe9: {  	s12 =	smul.u32 $0xCD, s29;
	v0 =	vadd.f32 v26, v17;
	v2 =	vadd.f32 v8, v2  }
0xea: {  	v1 =	vadd.f32 $1.837877040e+00, v1;
	v3 =	vadd.f32 v4, v3  }
0xeb: {  	s0 =	sshrl.u32 s12, $0xA  }
0xec: {  	v0 =	vsub.f32 v2, v0;
	s3 =	smul.u32 $0x5, s0;
	v1 =	vadd.f32 v1, v3;
	_ =	sdelay $0x1  }
0xed: {  	s30 =	sand.u32 $0x3F, s0;
	s13 =	ssub.s32 s29, s3;
	v0 =	vadd.f32 v1, v0;
	v1 =	vmul.f32 $1.000000010e-01, v2  }
0xee: {  	s12 =	rddreg [dreg:$0x15];
	s14 =	sshll.u32 s30, $0x7;
	s0 =	sshll.u32 s13, $0x4  }
0xef: {  	s31 =	sor.u32 s23, s24;
	s12 =	sadd.s32 s14, s12;
	s23 =	sand.u32 $0xF0, s0;
	v0 =	vsel vm0, v0, v1  }
0xf0: {  	s0 =	sadd.s32 s23, s12;
	[tilespmem:s31+$0x1D000] =	vst v0  }
0xf1: {  	v0 =	vld [tilespmem:s0+$0x0];
	_ =	sdelay $0x2  }
0xf2: {  	s24 =	smov.u32 s14;
	s3 =	rddreg [dreg:$0x10]  }
0xf3: {  	s0 =	sadd.s32 s24, s3  }
0xf4: {  	s0 =	sadd.s32 s23, s0;
	v1 =	vand.u32 $0x7FFFFFFF, v0  }
0xf5: {  	s12 =	rddreg [dreg:$0xb];
	v8 =	vld [tilespmem:s0+$0x0];
	v1 =	vsub.f32 $0.0e+00, v1  }
0xf6: {  	s14 =	rddreg [dreg:$0x19];
	s3 =	sadd.s32 s24, s12  }
0xf7: {  	s13 =	rddreg [dreg:$0x18];
	s3 =	sadd.s32 s23, s3;
	s0 =	sadd.s32 s24, s14;
	v1 =	vmul.f32 $1.442695020e+00, v1  }
0xf8: {  	s12 =	sadd.s32 s24, s13;
	v9 =	vld [tilespmem:s3+$0x0];
	s0 =	sadd.s32 s23, s0  }
0xf9: {  	s31 =	sadd.s32 s23, s12;
	v3 =	vld [tilespmem:s0+$0x0];
	(erf) = vpow2.f32 v1  }
0xfa: {  	v2 =	vand.u32 $0x7FFFFFFF, v8;
	v1 =	vld [tilespmem:s31+$0x0]  }
0xfb: {  	v2 =	vsub.f32 $0.0e+00, v2;
	_ =	sdelay $0x1  }
0xfc: {  	v4 =	vand.u32 $0x7FFFFFFF, v9;
	v2 =	vmul.f32 $1.442695020e+00, v2  }
0xfd: {  	v4 =	vsub.f32 $0.0e+00, v4  }
0xfe: {  	v7 =	vand.u32 $0x7FFFFFFF, v3;
	(erf) = vpow2.f32 v2;
	v5 =	vand.u32 $0x7FFFFFFF, v1  }
0xff: {  	s12 =	sadd.s32 s24, s25;
	v2 =	vmul.f32 $1.442695020e+00, v4;
	v4 =	vsub.f32 $0.0e+00, v7;
	v5 =	vsub.f32 $0.0e+00, v5  }
0x100: {  	s0 =	sadd.s32 s23, s12  }
0x101: {  	v10 =	vld [tilespmem:s0+$0x0];
	v4 =	vmul.f32 $1.442695020e+00, v4;
	v5 =	vmul.f32 $1.442695020e+00, v5;
	v6 =	vpop (erf)  }
0x102: {  	(erf) = vpow2.f32 v2;
	v7 =	vmul.f32 $6.834223120e-02, v6  }
0x103: {  	(erf) = vpow2.f32 v5  }
0x104: {  	(erf) = vpow2.f32 v4;
	v2 =	vsub.f32 $2.456068840e-01, v7;
	_ =	sdelay $0x1  }
0x105: {  	v4 =	vand.u32 $0x7FFFFFFF, v10;
	v2 =	vmul.f32 v2, v6  }
0x106: {  	v4 =	vsub.f32 $0.0e+00, v4  }
0x107: {  	s13 =	rddreg [dreg:$0x13];
	v5 =	vmul.f32 v6, v6;
	v7 =	vpop (erf);
	v2 =	vadd.f32 $-4.842381180e-01, v2  }
0x108: {  	s0 =	sadd.s32 s24, s13;
	v4 =	vmul.f32 $1.442695020e+00, v4;
	v11 =	vmul.f32 $6.834223120e-02, v7  }
0x109: {  	s0 =	sadd.s32 s23, s0;
	v2 =	vmul.f32 v2, v5  }
0x10a: {  	v3 =	vmax.f32 v3, $0.0e+00;
	(erf) = vpow2.f32 v4;
	v4 =	vld [tilespmem:s0+$0x0];
	v5 =	vsub.f32 $2.456068840e-01, v11;
	v13 =	vpop (erf)  }
0x10b: {  	s14 =	rddreg [dreg:$0x14];
	v24 =	vadd.f32 $0.0e+00, v10;
	v1 =	vmax.f32 v1, $0.0e+00;
	v12 =	vpop (erf);
	v2 =	vadd.f32 v2, v6  }
0x10c: {  	s31 =	sadd.s32 s24, s14;
	v5 =	vmul.f32 v5, v7;
	v11 =	vmul.f32 $6.834223120e-02, v12;
	v6 =	vmax.f32 v0, $0.0e+00;
	v14 =	vpop (erf)  }
0x10d: {  	s0 =	sadd.s32 s23, s31;
	v15 =	vmul.f32 $6.834223120e-02, v13;
	v16 =	vmul.f32 $6.834223120e-02, v14;
	v53 =	vadd.f32 v2, v6  }
0x10e: {  	v6 =	vld [tilespmem:s0+$0x0];
	v2 =	vadd.f32 $-4.842381180e-01, v5;
	v5 =	vmul.f32 v7, v7;
	v11 =	vsub.f32 $2.456068840e-01, v11  }
0x10f: {  	v15 =	vsub.f32 $2.456068840e-01, v15;
	v17 =	vand.u32 $0x7FFFFFFF, v4;
	v16 =	vsub.f32 $2.456068840e-01, v16  }
0x110: {  	v21 =	vsub.f32 $0.0e+00, v17;
	v2 =	vmul.f32 v2, v5;
	v5 =	vmul.f32 v11, v12  }
0x111: {  	v18 =	vmul.f32 v14, v14;
	v4 =	vmax.f32 v4, $0.0e+00;
	v16 =	vmul.f32 v16, v14  }
0x112: {  	v17 =	vmul.f32 v12, v12;
	v19 =	vmul.f32 $1.442695020e+00, v21;
	v5 =	vadd.f32 $-4.842381180e-01, v5  }
0x113: {  	s3 =	rddreg [dreg:$0x9];
	v15 =	vmul.f32 v15, v13;
	v20 =	vand.u32 $0x7FFFFFFF, v6;
	v16 =	vadd.f32 $-4.842381180e-01, v16  }
0x114: {  	s12 =	rddreg [dreg:$0xa];
	s0 =	sadd.s32 s24, s3;
	v11 =	vpop (erf);
	(erf) = vpow2.f32 v19;
	v20 =	vsub.f32 $0.0e+00, v20;
	v5 =	vmul.f32 v5, v17  }
0x115: {  	s3 =	sadd.s32 s24, s12;
	s0 =	sadd.s32 s23, s0;
	v2 =	vadd.f32 v2, v7;
	v21 =	vmul.f32 $6.834223120e-02, v11;
	v7 =	vmul.f32 v16, v18  }
0x116: {  	s13 =	sadd.s32 s23, s3;
	v15 =	vadd.f32 $-4.842381180e-01, v15;
	v17 =	vld [tilespmem:s0+$0x0];
	v19 =	vmul.f32 $1.442695020e+00, v20;
	v5 =	vadd.f32 v5, v12  }
0x117: {  	v6 =	vmax.f32 v6, $0.0e+00;
	v18 =	vsub.f32 $2.456068840e-01, v21;
	v16 =	vld [tilespmem:s13+$0x0];
	v7 =	vadd.f32 v7, v14  }
0x118: {  	v12 =	vmul.f32 v13, v13;
	(erf) = vpow2.f32 v19;
	v1 =	vadd.f32 v5, v1  }
0x119: {  	v20 =	vmax.f32 v8, $0.0e+00;
	v5 =	vmul.f32 v18, v11;
	v3 =	vadd.f32 v7, v3  }
0x11a: {  	v14 =	vmul.f32 v15, v12;
	v12 =	vmul.f32 v11, v11;
	v1 =	vadd.f32 $9.999999740e-05, v1  }
0x11b: {  	v5 =	vadd.f32 $-4.842381180e-01, v5;
	v15 =	vadd.f32 $9.999999740e-05, v3;
	v3 =	vand.u32 $0x7FFFFFFF, v17  }
0x11c: {  	v54 =	vadd.f32 v2, v20;
	v18 =	vand.u32 $0x7FFFFFFF, v16;
	v3 =	vsub.f32 $0.0e+00, v3  }
0x11d: {  	v18 =	vsub.f32 $0.0e+00, v18;
	v12 =	vmul.f32 v5, v12;
	v19 =	vmul.f32 v15, v1  }
0x11e: {  	v20 =	vpop (erf);
	v5 =	vadd.f32 v14, v13;
	(erf) = vrcp.f32 v1;
	v13 =	vmul.f32 $1.442695020e+00, v3  }
0x11f: {  	s14 =	rddreg [dreg:$0xe];
	v18 =	vmul.f32 $1.442695020e+00, v18;
	v3 =	vmul.f32 $6.834223120e-02, v20;
	v14 =	vand.u32 $0x7FFFFF, v19  }
0x120: {  	s31 =	rddreg [dreg:$0xf];
	s0 =	sadd.s32 s24, s14;
	v7 =	vmax.f32 v9, $0.0e+00;
	v14 =	vor.u32 $0x3F800000, v14;
	(erf) = vpow2.f32 v13  }
0x121: {  	s3 =	sadd.s32 s24, s31;
	s0 =	sadd.s32 s23, s0;
	v1 =	vsub.f32 $2.456068840e-01, v3;
	v3 =	vadd.f32 $-1.000000000e+00, v14;
	v21 =	vpop (erf);
	(erf) = vpow2.f32 v18  }
0x122: {  	s12 =	sadd.s32 s23, s3;
	v17 =	vmax.f32 v17, $0.0e+00;
	v13 =	vld [tilespmem:s0+$0x0];
	v14 =	vshra.s32 v19, $0x17;
	v22 =	vmul.f32 $6.834223120e-02, v21  }
0x123: {  	v1 =	vmul.f32 v1, v20;
	v18 =	vadd.s32 $0xFFFFFF81, v14;
	v14 =	vld [tilespmem:s12+$0x0];
	v19 =	vmul.f32 $6.834223120e-02, v3  }
0x124: {  	v23 =	vmul.f32 v20, v20;
	(erf) = vrcp.f32 v15;
	v22 =	vsub.f32 $2.456068840e-01, v22  }
0x125: {  	v25 =	vmul.f32 v21, v21;
	v1 =	vadd.f32 $-4.842381180e-01, v1;
	v19 =	vsub.f32 $2.456068840e-01, v19  }
0x126: {  	v15 =	vadd.f32 v5, v7;
	v18 =	vcvt.s32.f32 v18;
	v2 =	vmul.f32 v22, v21  }
0x127: {  	v1 =	vmul.f32 v1, v23;
	v7 =	vmul.f32 v19, v3;
	v19 =	vand.u32 $0x7FFFFFFF, v13  }
0x128: {  	v5 =	vpop (erf);
	v28 =	vand.u32 $0x7FFFFFFF, v14;
	v2 =	vadd.f32 $-4.842381180e-01, v2;
	v19 =	vsub.f32 $0.0e+00, v19  }
0x129: {  	v22 =	vmul.f32 v3, v3;
	v30 =	vsub.f32 $0.0e+00, v28;
	v1 =	vadd.f32 v1, v20;
	v23 =	vpop (erf)  }
0x12a: {  	s14 =	rddreg [dreg:$0x16];
	v27 =	vadd.f32 $-4.842381180e-01, v7;
	v20 =	vmul.f32 v2, v25;
	v25 =	vmul.f32 $6.834223120e-02, v23;
	v26 =	vpop (erf)  }
0x12b: {  	s3 =	sadd.s32 s24, s14;
	v19 =	vmul.f32 $1.442695020e+00, v19;
	v1 =	vadd.f32 v1, v4;
	v28 =	vmul.f32 $6.834223120e-02, v26  }
0x12c: {  	s3 =	sadd.s32 s23, s3;
	v29 =	vmul.f32 $1.442695020e+00, v30;
	v4 =	vsub.f32 $2.456068840e-01, v25;
	v20 =	vadd.f32 v20, v21  }
0x12d: {  	v2 =	vmul.f32 $6.931471820e-01, v18;
	(erf) = vpow2.f32 v19;
	v25 =	vld [tilespmem:s3+$0x0];
	v19 =	vsub.f32 $2.456068840e-01, v28  }
0x12e: {  	v7 =	vpop (erf);
	(erf) = vpow2.f32 v29;
	v21 =	vmul.f32 v4, v23;
	v20 =	vadd.f32 v20, v6  }
0x12f: {  	v1 =	vadd.f32 $9.999999740e-05, v1;
	v6 =	vmul.f32 v27, v22;
	v18 =	vmul.f32 v19, v26  }
0x130: {  	v19 =	vadd.f32 $-4.842381180e-01, v21;
	v21 =	vmul.f32 v23, v23;
	v20 =	vadd.f32 $9.999999740e-05, v20  }
0x131: {  	v22 =	vmul.f32 v26, v26;
	(erf) = vrcp.f32 v1;
	v18 =	vadd.f32 $-4.842381180e-01, v18  }
0x132: {  	v25 =	vsub.f32 $0.0e+00, v25;
	v19 =	vmul.f32 v19, v21;
	v1 =	vmul.f32 v20, v1  }
0x133: {  	s12 =	rddreg [dreg:$0x12];
	v21 =	vmax.f32 v10, $0.0e+00;
	(erf) = vrcp.f32 v20;
	v10 =	vmul.f32 v18, v22  }
0x134: {  	s13 =	rddreg [dreg:$0x17];
	s12 =	sadd.s32 s24, s12;
	v18 =	vadd.f32 v9, v24;
	v25 =	vmul.f32 $1.442695020e+00, v25;
	v9 =	vadd.f32 v19, v23  }
0x135: {  	s0 =	sadd.s32 s24, s13;
	s13 =	rddreg [dreg:$0x11];
	s12 =	sadd.s32 s23, s12;
	v19 =	vshra.s32 v1, $0x17;
	v1 =	vand.u32 $0x7FFFFF, v1;
	v10 =	vadd.f32 v10, v26  }
0x136: {  	s14 =	rddreg [dreg:$0x7];
	s0 =	sadd.s32 s23, s0;
	s13 =	sadd.s32 s24, s13;
	v1 =	vor.u32 $0x3F800000, v1;
	v26 =	vld [tilespmem:s12+$0x0];
	v17 =	vadd.f32 v9, v17;
	v9 =	vmax.f32 v16, $0.0e+00  }
0x137: {  	s31 =	rddreg [dreg:$0x8];
	v20 =	vpop (erf);
	v19 =	vadd.s32 $0xFFFFFF81, v19;
	s12 =	sadd.s32 s24, s14;
	s14 =	sadd.s32 s23, s13;
	v4 =	vadd.f32 v10, v9;
	v9 =	vadd.f32 $-1.000000000e+00, v1;
	v1 =	vld [tilespmem:s0+$0x0]  }
0x138: {  	v11 =	vadd.f32 v12, v11;
	v16 =	vmul.f32 $6.834223120e-02, v20;
	v23 =	vpop (erf);
	v19 =	vcvt.s32.f32 v19;
	v29 =	vld [tilespmem:s14+$0x0];
	s0 =	sadd.s32 s24, s31  }
0x139: {  	v8 =	vadd.f32 v8, v18;
	v31 =	vmul.f32 v20, v20;
	v24 =	vmul.f32 $6.834223120e-02, v23;
	s0 =	sadd.s32 s23, s0  }
0x13a: {  	s31 =	rddreg [dreg:$0xd];
	v62 =	vmul.f32 v23, v23;
	v17 =	vadd.f32 $9.999999740e-05, v17;
	v16 =	vsub.f32 $2.456068840e-01, v16;
	v27 =	vld [tilespmem:s0+$0x0]  }
0x13b: {  	s3 =	rddreg [dreg:$0xc];
	s12 =	sadd.s32 s23, s12;
	s31 =	sadd.s32 s24, s31;
	v55 =	vmul.f32 $6.931471820e-01, v19;
	v22 =	vadd.f32 $9.999999740e-05, v4;
	v24 =	vsub.f32 $2.456068840e-01, v24  }
0x13c: {  	v30 =	vld [tilespmem:s12+$0x0];
	s12 =	sadd.s32 s24, s3;
	v18 =	vmul.f32 $6.834223120e-02, v9;
	s13 =	sadd.s32 s23, s31;
	v16 =	vmul.f32 v16, v20;
	v1 =	vsub.f32 $0.0e+00, v1  }
0x13d: {  	s0 =	sadd.s32 s23, s12;
	v61 =	vld [tilespmem:s13+$0x0];
	v26 =	vsub.f32 $0.0e+00, v26;
	v28 =	vmul.f32 v22, v17;
	v29 =	vsub.f32 $0.0e+00, v29  }
0x13e: {  	v63 =	vld [tilespmem:s0+$0x0];
	v24 =	vmul.f32 v24, v23;
	v16 =	vadd.f32 $-4.842381180e-01, v16;
	v1 =	vmul.f32 $1.442695020e+00, v1  }
0x13f: {  	v10 =	vpop (erf);
	v26 =	vmul.f32 $1.442695020e+00, v26;
	v29 =	vmul.f32 $1.442695020e+00, v29;
	v27 =	vsub.f32 $0.0e+00, v27  }
0x140: {  	v12 =	vpop (erf);
	v24 =	vadd.f32 $-4.842381180e-01, v24;
	v16 =	vmul.f32 v16, v31;
	(erf) = vpow2.f32 v1  }
0x141: {  	v1 =	vsub.f32 $0.0e+00, v30;
	v27 =	vmul.f32 $1.442695020e+00, v27;
	(erf) = vpow2.f32 v25  }
0x142: {  	v24 =	vmul.f32 v24, v62;
	v25 =	vsub.f32 $0.0e+00, v61;
	(erf) = vpow2.f32 v26  }
0x143: {  	v1 =	vmul.f32 $1.442695020e+00, v1;
	v26 =	vsub.f32 $0.0e+00, v63;
	(erf) = vpow2.f32 v27  }
0x144: {  	v21 =	vadd.f32 v11, v21;
	v11 =	vmul.f32 $1.442695020e+00, v25;
	(erf) = vpow2.f32 v29  }
0x145: {  	v16 =	vadd.f32 v16, v20;
	v25 =	vmul.f32 $1.442695020e+00, v26;
	(erf) = vpow2.f32 v1  }
0x146: {  	v1 =	vmax.f32 v13, $0.0e+00;
	v13 =	vadd.f32 v24, v23;
	(erf) = vpow2.f32 v11  }
0x147: {  	v1 =	vadd.f32 v16, v1;
	v11 =	vmax.f32 v14, $0.0e+00;
	(erf) = vpow2.f32 v25  }
0x148: {  	v29 =	vadd.f32 $0.0e+00, v21;
	v16 =	vmul.f32 v9, v9;
	v13 =	vadd.f32 v13, v11  }
0x149: {  	v14 =	vand.u32 $0x7FFFFF, v28;
	v25 =	vadd.f32 $9.999999740e-05, v1;
	v1 =	vsub.f32 $2.456068840e-01, v18;
	v18 =	vpop (erf)  }
0x14a: {  	v14 =	vor.u32 $0x3F800000, v14;
	v24 =	vadd.f32 $9.999999740e-05, v13;
	v18 =	vadd.f32 $1.000000000e+00, v18;
	v19 =	vpop (erf)  }
0x14b: {  	v13 =	vadd.f32 $-1.000000000e+00, v14;
	v1 =	vmul.f32 v1, v9;
	v14 =	vadd.f32 $1.000000000e+00, v19;
	v19 =	vpop (erf)  }
0x14c: {  	v23 =	vmul.f32 v24, v25;
	v19 =	vadd.f32 $1.000000000e+00, v19;
	v20 =	vpop (erf);
	(erf) = vrcp.f32 v18  }
0x14d: {  	v1 =	vadd.f32 $-4.842381180e-01, v1;
	v4 =	vadd.f32 $1.000000000e+00, v20;
	v26 =	vpop (erf);
	(erf) = vrcp.f32 v14  }
0x14e: {  	v20 =	vmul.f32 $6.834223120e-02, v13;
	v14 =	vand.u32 $0x7FFFFF, v23;
	v27 =	vpop (erf);
	(erf) = vrcp.f32 v19  }
0x14f: {  	v26 =	vadd.f32 $1.000000000e+00, v26;
	v14 =	vor.u32 $0x3F800000, v14;
	v19 =	vadd.f32 $1.000000000e+00, v27;
	v18 =	vpop (erf)  }
0x150: {  	(erf) = vrcp.f32 v4;
	v14 =	vadd.f32 $-1.000000000e+00, v14;
	v11 =	vsub.f32 $2.456068840e-01, v20;
	v27 =	vpop (erf)  }
0x151: {  	v18 =	vadd.f32 $1.000000000e+00, v18;
	(erf) = vrcp.f32 v26;
	v26 =	vadd.f32 $1.000000000e+00, v27  }
0x152: {  	p0 =	sne.s32 s29, $0x4F;
	(erf) = vrcp.f32 v19;
	v20 =	vmul.f32 $6.834223120e-02, v14;
	v27 =	vshra.s32 v28, $0x17  }
.Ltmp0:
0x153: {  	s14 =	rddreg [dreg:$0x6];
	s31 =	sshll.u32 s30, $0xA;
	v4 =	vmul.f32 v1, v16;
	(erf) = vrcp.f32 v18;
	v1 =	vadd.s32 $0xFFFFFF81, v27;
	(pc) =	sbr.rel @p0 .LBB2_3-.Ltmp0, $4  }
0x154: {  	s0 =	sadd.s32 s31, s14;
	v27 =	vmul.f32 v13, v13;
	(erf) = vrcp.f32 v26;
	v28 =	vsub.f32 $2.456068840e-01, v20  }
0x155: {  	s30 =	sadd.s32 s23, s0;
	v26 =	vmul.f32 v11, v13;
	v1 =	vcvt.s32.f32 v1;
	v19 =	vpop (erf)  }
0x156: {  	v18 =	vld [tilespmem:s30+$0x380];
	v11 =	vadd.f32 v15, v29;
	(erf) = vrcp.f32 v17;
	v28 =	vmul.f32 v28, v14;
	v21 =	vpop (erf)  }
0x157: {  	s29 =	sadd.s32 $0x1, s29;
	v20 =	vld [tilespmem:s30+$0x300];
	v26 =	vadd.f32 $-4.842381180e-01, v26;
	v16 =	vmul.f32 $6.931471820e-01, v1;
	(erf) = vrcp.f32 v22;
	v22 =	vpop (erf)  }
0x158: {  	_ = 	snop  }
0x159: {  	v32 =	vld [tilespmem:s30+$0x280]  }
0x15a: {  	v33 =	vld [tilespmem:s30+$0x200]  }
0x15b: {  	v28 =	vadd.f32 $-4.842381180e-01, v28;
	v29 =	vpop (erf);
	v1 =	vsub.f32 v19, v18  }
0x15c: {  	v39 =	vld [tilespmem:s30+$0x180];
	v30 =	vpop (erf);
	v34 =	vsub.f32 v22, v18;
	v38 =	vsub.f32 v29, v18  }
0x15d: {  	v31 =	vpop (erf);
	v35 =	vsub.f32 v30, v20;
	v36 =	vsub.f32 v21, v20  }
0x15e: {  	v42 =	vld [tilespmem:s30+$0x100];
	v37 =	vsub.f32 v31, v20;
	v34 =	vmul.f32 v34, v34;
	v49 =	vsub.f32 v19, v32  }
0x15f: {  	v1 =	vmul.f32 v1, v1;
	v50 =	vsub.f32 v21, v33;
	v40 =	vsub.f32 v29, v32  }
0x160: {  	v43 =	vld [tilespmem:s30+$0x80];
	v48 =	vmul.f32 v38, v38;
	v41 =	vsub.f32 v31, v33;
	v52 =	vsub.f32 v22, v32  }
0x161: {  	v44 =	vsub.f32 v30, v33;
	v56 =	vsub.f32 v19, v39;
	v35 =	vmul.f32 v35, v35  }
0x162: {  	v45 =	vsub.f32 v22, v39;
	v36 =	vmul.f32 v36, v36;
	v37 =	vmul.f32 v37, v37  }
0x163: {  	v46 =	vsub.f32 v21, v42;
	v51 =	vmul.f32 v50, v50;
	v40 =	vmul.f32 v40, v40  }
0x164: {  	v47 =	vsub.f32 v29, v39;
	v41 =	vmul.f32 v41, v41;
	v38 =	vmul.f32 v52, v52  }
0x165: {  	v61 =	vsub.f32 v22, v43;
	v44 =	vmul.f32 v44, v44;
	v45 =	vmul.f32 v45, v45  }
0x166: {  	v46 =	vmul.f32 v46, v46;
	v50 =	vsub.f32 v29, v43;
	v34 =	vadd.f32 v34, v35  }
0x167: {  	v47 =	vmul.f32 v47, v47;
	v1 =	vadd.f32 v1, v36;
	v35 =	vadd.f32 v48, v37  }
0x168: {  	s0 =	rddreg [dreg:$0x5];
	v36 =	vmul.f32 v49, v49;
	v37 =	vld [tilespmem:s30+$0x0];
	v48 =	vsub.f32 v30, v42;
	v49 =	vsub.f32 v31, v42  }
0x169: {  	s0 =	sadd.s32 s24, s0;
	v40 =	vadd.f32 v40, v41;
	v41 =	vmul.f32 v56, v56;
	v38 =	vadd.f32 v38, v44  }
0x16a: {  	s0 =	sadd.s32 s23, s0;
	v56 =	vsub.f32 v19, v43;
	v57 =	vmul.f32 v48, v48;
	v58 =	vmul.f32 v49, v49  }
0x16b: {  	v26 =	vmul.f32 v26, v27;
	v36 =	vadd.f32 v36, v51;
	v51 =	vld [tilespmem:s0+$0x0];
	v41 =	vadd.f32 v41, v46  }
0x16c: {  	v15 =	vmul.f32 v61, v61;
	v44 =	vadd.f32 v45, v57;
	v62 =	vadd.f32 v47, v58  }
0x16d: {  	v59 =	vmul.f32 v50, v50;
	v48 =	vpop (erf);
	v52 =	vsub.f32 v31, v37;
	v63 =	vsub.f32 v30, v37  }
0x16e: {  	(erf) = vrcp.f32 v25;
	v50 =	vpop (erf);
	v57 =	vsub.f32 v21, v37;
	v58 =	vsub.f32 v48, v39  }
0x16f: {  	(erf) = vrcp.f32 v24;
	v17 =	vsub.f32 v50, v33;
	v60 =	vmul.f32 v52, v52  }
0x170: {  	vm0 =	vgt.s32 v51, $0x0;
	vm5 =	vgt.s32 v51, $0x1;
	v47 =	vmul.f32 v63, v63  }
0x171: {  	vm6 =	vgt.s32 v51, $0x2;
	vm8 =	vgt.s32 v51, $0x3;
	v52 =	vsub.f32 v48, v32  }
0x172: {  	v63 =	vsub.f32 v48, v18;
	v45 =	vnsel vm5, $0x4E6E6B28, v62;
	v40 =	vnsel vm6, $0x4E6E6B28, v40  }
0x173: {  	v35 =	vnsel vm8, $0x4E6E6B28, v35;
	v44 =	vnsel vm5, $0x4E6E6B28, v44;
	v38 =	vnsel vm6, $0x4E6E6B28, v38  }
0x174: {  	v34 =	vnsel vm8, $0x4E6E6B28, v34;
	v62 =	vsub.f32 v50, v37;
	v41 =	vnsel vm5, $0x4E6E6B28, v41  }
0x175: {  	v36 =	vnsel vm6, $0x4E6E6B28, v36;
	v46 =	vadd.f32 v59, v60;
	v47 =	vadd.f32 v15, v47  }
0x176: {  	v1 =	vnsel vm8, $0x4E6E6B28, v1;
	v59 =	vsub.f32 v50, v42;
	v60 =	vsub.f32 v48, v43  }
0x177: {  	v61 =	vmul.f32 v52, v52;
	v46 =	vnsel vm0, $0x4E6E6B28, v46;
	v47 =	vnsel vm0, $0x4E6E6B28, v47  }
0x178: {  	v15 =	vsub.f32 v50, v20;
	vm3 =	vlt.f32 v45, v46;
	vm9 =	vlt.f32 v44, v47  }
0x179: {  	v45 =	vsel vm3, v45, v46;
	v46 =	vmul.f32 v17, v17;
	v44 =	vsel vm9, v44, v47  }
0x17a: {  	v47 =	vmul.f32 v58, v58;
	v17 =	vmul.f32 v15, v15;
	v49 =	vsel vm9, v42, v37  }
0x17b: {  	v51 =	vsel vm9, v39, v43;
	vm2 =	vlt.f32 v40, v45;
	vm7 =	vlt.f32 v38, v44  }
0x17c: {  	v40 =	vsel vm2, v40, v45;
	v38 =	vsel vm7, v38, v44;
	v44 =	vmul.f32 v59, v59  }
0x17d: {  	v45 =	vmul.f32 v62, v62;
	vm1 =	vlt.f32 v35, v40;
	v35 =	vmul.f32 v56, v56  }
0x17e: {  	v40 =	vmul.f32 v57, v57;
	vm4 =	vlt.f32 v34, v38;
	v38 =	vadd.f32 v61, v46  }
0x17f: {  	v34 =	vmul.f32 v60, v60;
	v56 =	vsel vm3, v42, v37;
	v57 =	vsel vm3, v39, v43  }
0x180: {  	v61 =	vmul.f32 v14, v14;
	v44 =	vadd.f32 v47, v44;
	v59 =	vsel vm2, v33, v56  }
0x181: {  	v35 =	vadd.f32 v35, v40;
	v34 =	vadd.f32 v34, v45;
	v40 =	vmul.f32 v63, v63  }
0x182: {  	v60 =	vsel vm2, v32, v57;
	v45 =	vnsel vm6, $0x4E6E6B28, v38;
	v44 =	vnsel vm5, $0x4E6E6B28, v44  }
0x183: {  	v35 =	vnsel vm0, $0x4E6E6B28, v35;
	v34 =	vnsel vm0, $0x4E6E6B28, v34;
	v40 =	vadd.f32 v40, v17  }
0x184: {  	v62 =	vmul.f32 v28, v61;
	vm10 =	vlt.f32 v41, v35;
	vm11 =	vlt.f32 v44, v34  }
0x185: {  	v35 =	vsel vm10, v41, v35;
	v34 =	vsel vm11, v44, v34;
	v46 =	vnsel vm8, $0x4E6E6B28, v40  }
0x186: {  	v47 =	vsel vm10, v42, v37;
	v52 =	vsel vm10, v39, v43;
	v37 =	vsel vm11, v42, v37  }
0x187: {  	v39 =	vsel vm11, v39, v43;
	v41 =	vsel vm1, v18, v60;
	vm12 =	vlt.f32 v36, v35  }
0x188: {  	vm6 =	vlt.f32 v45, v34;
	v27 =	vsub.f32 v41, v29;
	v35 =	vsel vm12, v36, v35  }
0x189: {  	v34 =	vsel vm6, v45, v34;
	v58 =	vsel vm12, v33, v47;
	v36 =	vsel vm1, v20, v59  }
0x18a: {  	vm14 =	vlt.f32 v1, v35;
	vm15 =	vlt.f32 v46, v34;
	v34 =	vsel vm12, v32, v52  }
0x18b: {  	v1 =	vsel vm7, v33, v49;
	v35 =	vsel vm7, v32, v51;
	v33 =	vsel vm6, v33, v37  }
0x18c: {  	v32 =	vsel vm6, v32, v39;
	v46 =	vshra.s32 v23, $0x17;
	v25 =	vsel vm14, v20, v58  }
0x18d: {  	v63 =	vsel vm14, v18, v34;
	v1 =	vsel vm4, v20, v1;
	v37 =	vsel vm15, v20, v33  }
0x18e: {  	v39 =	vsel vm4, v18, v35;
	v42 =	vsel vm15, v18, v32;
	v15 =	vsub.f32 v25, v21  }
0x18f: {  	v34 =	vsub.f32 v63, v19;
	v1 =	vsub.f32 v1, v30;
	v21 =	vadd.s32 $0xFFFFFF81, v46  }
0x190: {  	v43 =	vpop (erf);
	v40 =	vsub.f32 v39, v22;
	v20 =	vsub.f32 v37, v50;
	v50 =	vcvt.s32.f32 v21  }
0x191: {  	v45 =	vpop (erf);
	v25 =	vsub.f32 v36, v31;
	v5 =	vmul.f32 v15, v5;
	v7 =	vmul.f32 v34, v7  }
0x192: {  	v47 =	vpop (erf);
	v18 =	vsub.f32 v42, v48;
	v1 =	vmul.f32 v1, v10;
	v44 =	vmul.f32 v40, v12  }
0x193: {  	v3 =	vadd.f32 v6, v3;
	v49 =	vpop (erf);
	v19 =	vmul.f32 v25, v43;
	v12 =	vmul.f32 v27, v45  }
0x194: {  	v13 =	vadd.f32 v26, v13;
	v48 =	vmul.f32 v20, v47;
	v18 =	vmul.f32 v18, v49  }
0x195: {  	v9 =	vadd.f32 v4, v9;
	v51 =	vmul.f32 v19, v19;
	v12 =	vmul.f32 v12, v12  }
0x196: {  	v13 =	vadd.f32 v13, v16;
	v6 =	vmul.f32 v48, v48;
	v17 =	vmul.f32 v18, v18  }
0x197: {  	v52 =	vadd.f32 v62, v14;
	v1 =	vmul.f32 v1, v1;
	v10 =	vmul.f32 v44, v44  }
0x198: {  	v56 =	vmul.f32 $6.931471820e-01, v50;
	v12 =	vadd.f32 v12, v51;
	v6 =	vadd.f32 v17, v6  }
0x199: {  	v5 =	vmul.f32 v5, v5;
	v7 =	vmul.f32 v7, v7;
	v1 =	vadd.f32 v10, v1  }
0x19a: {  	v57 =	vadd.f32 v52, v56;
	v12 =	vmul.f32 $5.000000000e-01, v12;
	v6 =	vmul.f32 $5.000000000e-01, v6  }
0x19b: {  	v9 =	vadd.f32 v9, v55;
	v5 =	vadd.f32 v7, v5;
	v1 =	vmul.f32 $5.000000000e-01, v1  }
0x19c: {  	v58 =	vadd.f32 v13, v12;
	v6 =	vadd.f32 v57, v6  }
0x19d: {  	v3 =	vadd.f32 v3, v2;
	v59 =	vmul.f32 $5.000000000e-01, v5;
	v1 =	vadd.f32 v9, v1  }
0x19e: {  	v60 =	vadd.f32 $1.837877040e+00, v58;
	v6 =	vadd.f32 $1.837877040e+00, v6  }
0x19f: {  	v61 =	vadd.f32 v54, v11;
	v3 =	vadd.f32 v3, v59  }
0x1a0: {  	v1 =	vadd.f32 $1.837877040e+00, v1;
	v62 =	vadd.f32 v6, v60  }
0x1a1: {  	v0 =	vadd.f32 v0, v8;
	v2 =	vadd.f32 v53, v61  }
0x1a2: {  	v3 =	vadd.f32 $1.837877040e+00, v3;
	v1 =	vadd.f32 v1, v62;
	_ =	sdelay $0x1  }
0x1a3: {  	v0 =	vsub.f32 v2, v0;
	v1 =	vadd.f32 v3, v1  }
0x1a4: {  	s31 =	smul.u32 $0x2800, s28  }
0x1a5: {  	v63 =	vmul.f32 $1.000000010e-01, v2;
	v0 =	vadd.f32 v1, v0  }
0x1a6: {  	s22 =	sadd.s32 $0x1, s22;
	s0 =	sadd.s32 s26, s31  }
0x1a7: {  	s3 =	sor.u32 s23, s24;
	p0 =	sne.s32 s22, $0xA;
	s0 =	sshrl.u32 s0, $0x3;
	v0 =	vsel vm0, v0, v63  }
.Ltmp1:
0x1a8: {  	s0 =	sadd.s32 s5, s0;
	[tilespmem:s3+$0x1D000] =	vst v0;
	(pc) =	sbr.rel @p0 .LBB2_2-.Ltmp1, $4  }
0x1a9: {  	[hbm4b:s0+s7] =	stream.linear.scatter [tilespmem:s19], [sflag:$0x4], $0x800, $0x38;
	[tilespmem:$0x1D800] =	vst v63  }
0x1aa: {  	_ =	swait.ge [sflag:s20], $0x800  }
0x1ab: {  	[sflag:s20] =	ssyncset.done $0x0  }
0x1ac: {  	[sflag:s20] =	ssyncadd.s32 $0xFFFFF800  }
0x1ad: {  	s21 =	sadd.s32 $0x1, s21  }
0x1ae: {  	p0 =	sne.s32 s21, s11  }
.Ltmp2:
0x1af: {  	_ = 	snop;
	(pc) =	sbr.rel @p0 .LBB2_1-.Ltmp2, $1  }
0x1b0: {  	_ =	sdelay $0x3  }
0x1b1: {  	_ =	sfence.sel $0x180000  }
0x1b2: {  	[bflag:$0x0] =	sbarrier.arrive $0xFFFF  }
0x1b3: {  	_ =	strace $0x90000047  }
0x1b4: {  	s0 =	stileid.u32;
	[bflag:$0x2] =	sbarrier.arrive $0xFFFF  }
0x1b5: {  	p0 =	sne.s32 s0, $0x0;
	s0 =	rddreg [dreg:$0x4]  }
0x1b6: {  	s0 =	sadd.s32 @!p0 $0x100000, s0  }
0x1b7: {  	[sflag:s0] =	ssyncadd.tile.s32 @!p0 $0x1;
	_ =	shalt  }
.Lfunc_end2:
_tile_overlayer_lowered:
.L_overlay_start_2:
0x1b8: {  	(tag) =	ssettag $0x2  }
0x1b9: {  	s0 =	rddreg [dreg:$0x0];
	s2 =	stileid.u32  }
0x1ba: {  	s1 =	rddreg [dreg:$0x1];
	p0 =	sne.s32 s2, $0x0  }
0x1bb: {  	s3 =	rddreg [dreg:$0x2];
	[bflag:$0x3] =	sbarrier.arrive $0xFFFF;
	s2 =	simm.s32 @!p0 $0x1C04  }
0x1bc: {  	[timem:s3], [sflag:s2] =	dma.local @!p0 [hbm:s0], s1  }
0x1bd: {  	s0 =	simm.s32 @!p0 $0x4  }
0x1be: {  	_ =	swait.ge @!p0 [sflag:s0], s1  }
0x1bf: {  	s1 =	ssub.s32 @!p0 $0x0, s1;
	[sflag:s0] =	ssyncset.done @!p0 $0x0  }
0x1c0: {  	[sflag:s0] =	ssyncadd.s32 @!p0 s1  }
0x1c1: {  	[bflag:$0x3] =	sbarrier.arrive $0xFFFF  }
0x1c2: {  	_ =	shalt  }

</sc_bundles>
